<compile_context>
chip_gen: v7x
topology: tpu7x:2x2x1
jax: 0.10.2.dev20260603
libtpu: 0.0.44.dev20260713+nightly
codegen_flags: <defaults>
</compile_context>

<pallas_src>
import functools

import jax
import jax.numpy as jnp
from jax import lax
from jax.experimental import pallas as pl
from jax.experimental.pallas import tpu as pltpu
from jax.experimental.pallas import tpu_sc as plsc

BATCH = 16384
D = 128
LANES = 16
GROUPS = D // (2 * LANES)

TC_ROWS = 4096
TC_BLK = 1024
NCLS_PAD = 1024

_info = plsc.get_sparse_core_info()
NC, NS = _info.num_cores, _info.num_subcores
NW = NC * NS
SC_ROWS = BATCH - TC_ROWS
ROWS_W = SC_ROWS // NW
CHUNK = 128
CHUNKS = (128, 128, 128)
OFFS = (0, 128, 256)
NCHUNK = len(CHUNKS)
assert sum(CHUNKS) == ROWS_W


def _make_sc_call():
    mesh = plsc.VectorSubcoreMesh(core_axis_name="c", subcore_axis_name="s")

    @functools.partial(
        pl.kernel,
        mesh=mesh,
        out_type=jax.ShapeDtypeStruct((NW, LANES), jnp.float32),
        scratch_types=[
            pltpu.VMEM((ROWS_W,), jnp.int32),
            pltpu.VMEM((2, CHUNK, D), jnp.float32),
            pltpu.VMEM((NCHUNK, CHUNK, D), jnp.float32),
            pltpu.VMEM((LANES,), jnp.float32),
            pltpu.SemaphoreType.DMA,
            pltpu.SemaphoreType.DMA,
            pltpu.SemaphoreType.DMA,
            pltpu.SemaphoreType.DMA,
            pltpu.SemaphoreType.DMA,
        ],
    )
    def sc_center_loss(feat_hbm, label_hbm, ctable_hbm, out_hbm,
                       idx_v, cent_v, feat_v, out_v,
                       gsem0, gsem1, fsem0, fsem1, fsem2):
        wid = lax.axis_index("s") * NC + lax.axis_index("c")
        base = TC_ROWS + wid * ROWS_W
        gsems = (gsem0, gsem1)
        fsems = (fsem0, fsem1, fsem2)

        fcopies = [
            pltpu.async_copy(
                feat_hbm.at[pl.ds(base + OFFS[c], CHUNKS[c])],
                feat_v.at[c].at[pl.ds(0, CHUNKS[c])], fsems[c])
            for c in range(NCHUNK)
        ]
        pltpu.sync_copy(label_hbm.at[pl.ds(base, ROWS_W)], idx_v)

        def start(c, slot):
            g = pltpu.async_copy(
                ctable_hbm.at[idx_v.at[pl.ds(OFFS[c], CHUNKS[c])]],
                cent_v.at[slot].at[pl.ds(0, CHUNKS[c])], gsems[slot])
            return g, fcopies[c]

        def compute(c, slot, accs):
            fv = feat_v.at[c]
            cv = cent_v.at[slot]

            def body(i, accs):
                new = list(accs)
                for g in range(GROUPS):
                    w = jax.lax.bitcast_convert_type(
                        cv[i, pl.ds(g * LANES, LANES)], jnp.int32)
                    clo = jax.lax.bitcast_convert_type(w << 16, jnp.float32)
                    chi = jax.lax.bitcast_convert_type(w & jnp.int32(-65536),
                                                       jnp.float32)
                    flo = fv[i, pl.ds(g * LANES, LANES)]
                    fhi = fv[i, pl.ds(D // 2 + g * LANES, LANES)]
                    dlo = flo - clo
                    dhi = fhi - chi
                    new[2 * g] = new[2 * g] + dlo * dlo
                    new[2 * g + 1] = new[2 * g + 1] + dhi * dhi
                return tuple(new)

            return lax.fori_loop(0, CHUNKS[c], body, accs)

        accs = tuple(jnp.zeros((LANES,), jnp.float32) for _ in range(2 * GROUPS))
        copies = {0: start(0, 0)}
        for c in range(NCHUNK):
            if c + 1 < NCHUNK:
                copies[c + 1] = start(c + 1, (c + 1) % 2)
            g, f = copies.pop(c)
            g.wait()
            f.wait()
            accs = compute(c, c % 2, accs)

        total = accs[0]
        for j in range(1, 2 * GROUPS):
            total = total + accs[j]
        out_v[...] = total * 0.5
        pltpu.sync_copy(out_v, out_hbm.at[wid])

    return sc_center_loss


_sc_center_loss = _make_sc_call()


def _pack_centers(centers):
    bits = jax.lax.bitcast_convert_type(centers, jnp.int32)
    rne = (bits + jnp.int32(0x7FFF) + ((bits >> 16) & 1)) >> 16
    rne = rne & jnp.int32(0xFFFF)
    words = rne[:, :D // 2] | (rne[:, D // 2:] << 16)
    packed = jnp.pad(words, ((0, 0), (0, D // 2)))
    return jax.lax.bitcast_convert_type(packed, jnp.float32)


def _tc_body(lab_ref, feat_ref, cent_ref, out_ref):
    k = pl.program_id(0)
    labs = jnp.broadcast_to(lab_ref[0], (NCLS_PAD, TC_BLK))
    iot = jax.lax.broadcasted_iota(jnp.int32, (NCLS_PAD, TC_BLK), 0)
    onehot_t = jnp.where(labs == iot, 1.0, 0.0).astype(jnp.bfloat16)
    gathered = jax.lax.dot_general(
        onehot_t, cent_ref[...], (((0,), (0,)), ((), ())),
        preferred_element_type=jnp.float32)
    dmat = feat_ref[...] - gathered
    part = jnp.sum(dmat * dmat, axis=0, keepdims=True)

    @pl.when(k == 0)
    def _init():
        out_ref[...] = jnp.zeros_like(out_ref)

    out_ref[...] += part


def _make_tc_call():
    return pl.pallas_call(
        _tc_body,
        grid=(TC_ROWS // TC_BLK,),
        in_specs=[
            pl.BlockSpec((1, 1, TC_BLK), lambda k: (k, 0, 0)),
            pl.BlockSpec((TC_BLK, D), lambda k: (k, 0)),
            pl.BlockSpec((NCLS_PAD, D), lambda k: (0, 0)),
        ],
        out_specs=pl.BlockSpec((1, D), lambda k: (0, 0)),
        out_shape=jax.ShapeDtypeStruct((1, D), jnp.float32),
    )


_tc_center_loss = _make_tc_call()


def kernel(feat, label, centers):
    label32 = label.astype(jnp.int32)
    sc_part = _sc_center_loss(feat, label32, _pack_centers(centers))
    cpad = jnp.pad(centers.astype(jnp.bfloat16),
                   ((0, NCLS_PAD - centers.shape[0]), (0, 0)))
    tc_part = _tc_center_loss(
        label32.reshape(BATCH // TC_BLK, 1, TC_BLK), feat, cpad)
    return jnp.sum(sc_part) + 0.5 * jnp.sum(tc_part)

# --- scband reference (transcript-rebuilt; emitter-appended) ---
"""Pipeline reference for scband-center-loss-10977936409031 (READ-ONLY COPY).

The authoritative reference and input builder live on the scoring server;
editing this copy changes nothing except your own understanding.
"""

import jax, jax.numpy as jnp
import numpy as np

NUM_CLASSES = 1000
D_LOSS = 128
BATCH = 16384


def setup_inputs(seed: int = 0) -> dict:
    key = jax.random.key(seed)
    k_feat, k_label, k_centers = jax.random.split(key, 3)
    feat = jax.random.normal(k_feat, (BATCH, D_LOSS), dtype=jnp.float32)
    label = jax.random.randint(k_label, (BATCH,), 0, NUM_CLASSES, dtype=jnp.int64)
    centers = jax.random.normal(k_centers, (NUM_CLASSES, D_LOSS), dtype=jnp.float32)
    return {"feat": feat, "label": label, "centers": centers}


def reference(feat, label, centers):
    # CenterLoss.forward: feat reshaped to [B, d]; checked against d_loss;
    # CenterlossFunction.forward: gather centers by label, 0.5 * sum of squared diffs.
    batch_size = feat.shape[0]
    feat = feat.reshape(batch_size, -1)
    centers_pred = jnp.take(centers, label, axis=0)  # index_select(0, label)
    loss = jnp.sum(jnp.sum((feat - centers_pred) ** 2, axis=1), axis=0) / 2.0
    return loss

if __name__ == "__main__":
    import jax
    _d = setup_inputs()
    print(jax.jit(kernel)(*tuple(_d.values())))

</pallas_src>

<mosaic_0001>
#map = affine_map<(d0, d1) -> (0, 0)>
#map1 = affine_map<(d0, d1) -> (0)>
module attributes {stable_mosaic.version = 14 : i64} {
  func.func @sc_center_loss(%arg0: i32, %arg1: i32, %arg2: memref<16384x128xf32, #tpu.memory_space<hbm>>, %arg3: memref<16384xi32, #tpu.memory_space<hbm>>, %arg4: memref<1000x128xf32, #tpu.memory_space<hbm>>, %arg5: memref<32x16xf32, #tpu.memory_space<hbm>>, %arg6: memref<384xi32, #tpu.memory_space<vmem>>, %arg7: memref<2x128x128xf32, #tpu.memory_space<vmem>>, %arg8: memref<3x128x128xf32, #tpu.memory_space<vmem>>, %arg9: memref<16xf32, #tpu.memory_space<vmem>>, %arg10: memref<!tpu.dma_semaphore, #tpu.memory_space<semaphore_mem>>, %arg11: memref<!tpu.dma_semaphore, #tpu.memory_space<semaphore_mem>>, %arg12: memref<!tpu.dma_semaphore, #tpu.memory_space<semaphore_mem>>, %arg13: memref<!tpu.dma_semaphore, #tpu.memory_space<semaphore_mem>>, %arg14: memref<!tpu.dma_semaphore, #tpu.memory_space<semaphore_mem>>) attributes {dimension_semantics = [#tpu.dimension_semantics<core_parallel>, #tpu.dimension_semantics<subcore_parallel>], iteration_bounds = array<i64: 2, 16>, scalar_prefetch = 0 : i64, scratch_operands = 9 : i64, tpu.core_type = #tpu.core_type<sc_vector_subcore>, window_params = [{transform_indices = #map}, {transform_indices = #map1}, {transform_indices = #map}, {transform_indices = #map}]} {
    %mul3A = arith.constant 2 : i32
    %mul3A_0 = arith.muli %arg1, %mul3A : i32
    %add3A = arith.addi %mul3A_0, %arg0 : i32
    %mul3A_1 = arith.constant 384 : i32
    %mul3A_2 = arith.muli %add3A, %mul3A_1 : i32
    %add3A_3 = arith.constant 4096 : i32
    %add3A_4 = arith.addi %add3A_3, %mul3A_2 : i32
    %add3A_5 = arith.constant 0 : i32
    %add3A_6 = arith.addi %add3A_4, %add3A_5 : i32
    %dma_start3A = arith.constant 0 : i32
    %dma_start3A_7 = arith.constant 0 : i32
    %dma_start3A_8 = arith.constant 0 : i32
    %dma_start3A_9 = tpu.memref_slice %arg8[%dma_start3A, %dma_start3A_7, %dma_start3A_8] : memref<3x128x128xf32, #tpu.memory_space<vmem>> -> memref<1x128x128xf32, #tpu.memory_space<vmem>>
    %dma_start3A_10 = tpu.memref_squeeze %dma_start3A_9 : memref<1x128x128xf32, #tpu.memory_space<vmem>> -> memref<128x128xf32, #tpu.memory_space<vmem>>
    %dma_start3A_11 = arith.constant 0 : i32
    %dma_start3A_12 = arith.constant 0 : i32
    %dma_start3A_13 = tpu.memref_slice %dma_start3A_10[%dma_start3A_11, %dma_start3A_12] : memref<128x128xf32, #tpu.memory_space<vmem>> -> memref<128x128xf32, #tpu.memory_space<vmem>>
    %dma_start3A_14 = arith.constant 0 : i32
    %dma_start3A_15 = tpu.memref_slice %arg2[%add3A_6, %dma_start3A_14] : memref<16384x128xf32, #tpu.memory_space<hbm>> -> memref<128x128xf32, #tpu.memory_space<hbm>>
    %dma_start3A_16 = arith.constant 0 : i32
    %dma_start3A_17 = arith.constant 0 : i32
    %dma_start3A_18 = tpu.memref_slice %arg8[%dma_start3A, %dma_start3A_16, %dma_start3A_17] : memref<3x128x128xf32, #tpu.memory_space<vmem>> -> memref<1x128x128xf32, #tpu.memory_space<vmem>>
    %dma_start3A_19 = tpu.memref_squeeze %dma_start3A_18 : memref<1x128x128xf32, #tpu.memory_space<vmem>> -> memref<128x128xf32, #tpu.memory_space<vmem>>
    %dma_start3A_20 = arith.constant 0 : i32
    %dma_start3A_21 = arith.constant 0 : i32
    %dma_start3A_22 = tpu.memref_slice %dma_start3A_19[%dma_start3A_20, %dma_start3A_21] : memref<128x128xf32, #tpu.memory_space<vmem>> -> memref<128x128xf32, #tpu.memory_space<vmem>>
    %dma_start3A_23 = arith.constant 0 : i32
    %dma_start3A_24 = tpu.memref_slice %arg2[%add3A_6, %dma_start3A_23] : memref<16384x128xf32, #tpu.memory_space<hbm>> -> memref<128x128xf32, #tpu.memory_space<hbm>>
    tpu.enqueue_dma source(%dma_start3A_24 : memref<128x128xf32, #tpu.memory_space<hbm>>) target(%dma_start3A_22 : memref<128x128xf32, #tpu.memory_space<vmem>>) target_semaphore(%arg12 : memref<!tpu.dma_semaphore, #tpu.memory_space<semaphore_mem>>)
    %add3A_25 = arith.constant 128 : i32
    %add3A_26 = arith.addi %add3A_4, %add3A_25 : i32
    %dma_start3A_27 = arith.constant 1 : i32
    %dma_start3A_28 = arith.constant 0 : i32
    %dma_start3A_29 = arith.constant 0 : i32
    %dma_start3A_30 = tpu.memref_slice %arg8[%dma_start3A_27, %dma_start3A_28, %dma_start3A_29] : memref<3x128x128xf32, #tpu.memory_space<vmem>> -> memref<1x128x128xf32, #tpu.memory_space<vmem>>
    %dma_start3A_31 = tpu.memref_squeeze %dma_start3A_30 : memref<1x128x128xf32, #tpu.memory_space<vmem>> -> memref<128x128xf32, #tpu.memory_space<vmem>>
    %dma_start3A_32 = arith.constant 0 : i32
    %dma_start3A_33 = arith.constant 0 : i32
    %dma_start3A_34 = tpu.memref_slice %dma_start3A_31[%dma_start3A_32, %dma_start3A_33] : memref<128x128xf32, #tpu.memory_space<vmem>> -> memref<128x128xf32, #tpu.memory_space<vmem>>
    %dma_start3A_35 = arith.constant 0 : i32
    %dma_start3A_36 = tpu.memref_slice %arg2[%add3A_26, %dma_start3A_35] : memref<16384x128xf32, #tpu.memory_space<hbm>> -> memref<128x128xf32, #tpu.memory_space<hbm>>
    %dma_start3A_37 = arith.constant 0 : i32
    %dma_start3A_38 = arith.constant 0 : i32
    %dma_start3A_39 = tpu.memref_slice %arg8[%dma_start3A_27, %dma_start3A_37, %dma_start3A_38] : memref<3x128x128xf32, #tpu.memory_space<vmem>> -> memref<1x128x128xf32, #tpu.memory_space<vmem>>
    %dma_start3A_40 = tpu.memref_squeeze %dma_start3A_39 : memref<1x128x128xf32, #tpu.memory_space<vmem>> -> memref<128x128xf32, #tpu.memory_space<vmem>>
    %dma_start3A_41 = arith.constant 0 : i32
    %dma_start3A_42 = arith.constant 0 : i32
    %dma_start3A_43 = tpu.memref_slice %dma_start3A_40[%dma_start3A_41, %dma_start3A_42] : memref<128x128xf32, #tpu.memory_space<vmem>> -> memref<128x128xf32, #tpu.memory_space<vmem>>
    %dma_start3A_44 = arith.constant 0 : i32
    %dma_start3A_45 = tpu.memref_slice %arg2[%add3A_26, %dma_start3A_44] : memref<16384x128xf32, #tpu.memory_space<hbm>> -> memref<128x128xf32, #tpu.memory_space<hbm>>
    tpu.enqueue_dma source(%dma_start3A_45 : memref<128x128xf32, #tpu.memory_space<hbm>>) target(%dma_start3A_43 : memref<128x128xf32, #tpu.memory_space<vmem>>) target_semaphore(%arg13 : memref<!tpu.dma_semaphore, #tpu.memory_space<semaphore_mem>>)
    %add3A_46 = arith.constant 256 : i32
    %add3A_47 = arith.addi %add3A_4, %add3A_46 : i32
    %dma_start3A_48 = arith.constant 2 : i32
    %dma_start3A_49 = arith.constant 0 : i32
    %dma_start3A_50 = arith.constant 0 : i32
    %dma_start3A_51 = tpu.memref_slice %arg8[%dma_start3A_48, %dma_start3A_49, %dma_start3A_50] : memref<3x128x128xf32, #tpu.memory_space<vmem>> -> memref<1x128x128xf32, #tpu.memory_space<vmem>>
    %dma_start3A_52 = tpu.memref_squeeze %dma_start3A_51 : memref<1x128x128xf32, #tpu.memory_space<vmem>> -> memref<128x128xf32, #tpu.memory_space<vmem>>
    %dma_start3A_53 = arith.constant 0 : i32
    %dma_start3A_54 = arith.constant 0 : i32
    %dma_start3A_55 = tpu.memref_slice %dma_start3A_52[%dma_start3A_53, %dma_start3A_54] : memref<128x128xf32, #tpu.memory_space<vmem>> -> memref<128x128xf32, #tpu.memory_space<vmem>>
    %dma_start3A_56 = arith.constant 0 : i32
    %dma_start3A_57 = tpu.memref_slice %arg2[%add3A_47, %dma_start3A_56] : memref<16384x128xf32, #tpu.memory_space<hbm>> -> memref<128x128xf32, #tpu.memory_space<hbm>>
    %dma_start3A_58 = arith.constant 0 : i32
    %dma_start3A_59 = arith.constant 0 : i32
    %dma_start3A_60 = tpu.memref_slice %arg8[%dma_start3A_48, %dma_start3A_58, %dma_start3A_59] : memref<3x128x128xf32, #tpu.memory_space<vmem>> -> memref<1x128x128xf32, #tpu.memory_space<vmem>>
    %dma_start3A_61 = tpu.memref_squeeze %dma_start3A_60 : memref<1x128x128xf32, #tpu.memory_space<vmem>> -> memref<128x128xf32, #tpu.memory_space<vmem>>
    %dma_start3A_62 = arith.constant 0 : i32
    %dma_start3A_63 = arith.constant 0 : i32
    %dma_start3A_64 = tpu.memref_slice %dma_start3A_61[%dma_start3A_62, %dma_start3A_63] : memref<128x128xf32, #tpu.memory_space<vmem>> -> memref<128x128xf32, #tpu.memory_space<vmem>>
    %dma_start3A_65 = arith.constant 0 : i32
    %dma_start3A_66 = tpu.memref_slice %arg2[%add3A_47, %dma_start3A_65] : memref<16384x128xf32, #tpu.memory_space<hbm>> -> memref<128x128xf32, #tpu.memory_space<hbm>>
    tpu.enqueue_dma source(%dma_start3A_66 : memref<128x128xf32, #tpu.memory_space<hbm>>) target(%dma_start3A_64 : memref<128x128xf32, #tpu.memory_space<vmem>>) target_semaphore(%arg14 : memref<!tpu.dma_semaphore, #tpu.memory_space<semaphore_mem>>)
    "tpu.region"() ({
      %run_scoped3A = tpu.sem_alloc : memref<!tpu.dma_semaphore, #tpu.memory_space<semaphore_mem>>
      %dma_start3A_252 = tpu.memref_slice %arg3[%add3A_4] : memref<16384xi32, #tpu.memory_space<hbm>> -> memref<384xi32, #tpu.memory_space<hbm>>
      %dma_start3A_253 = tpu.memref_slice %arg3[%add3A_4] : memref<16384xi32, #tpu.memory_space<hbm>> -> memref<384xi32, #tpu.memory_space<hbm>>
      tpu.enqueue_dma source(%dma_start3A_253 : memref<384xi32, #tpu.memory_space<hbm>>) target(%arg6 : memref<384xi32, #tpu.memory_space<vmem>>) target_semaphore(%run_scoped3A : memref<!tpu.dma_semaphore, #tpu.memory_space<semaphore_mem>>)
      %dma_wait3A_254 = tpu.memref_slice %arg3[%add3A_4] : memref<16384xi32, #tpu.memory_space<hbm>> -> memref<384xi32, #tpu.memory_space<hbm>>
      %dma_wait3A_255 = tpu.memref_slice %arg3[%add3A_4] : memref<16384xi32, #tpu.memory_space<hbm>> -> memref<384xi32, #tpu.memory_space<hbm>>
      tpu.wait_dma2 semaphore(%run_scoped3A : memref<!tpu.dma_semaphore, #tpu.memory_space<semaphore_mem>>) src(%dma_wait3A_255 : memref<384xi32, #tpu.memory_space<hbm>>) dst(%arg6 : memref<384xi32, #tpu.memory_space<vmem>>)
      tpu.yield
    }) : () -> ()
    %broadcast_in_dim3A = arith.constant 0.000000e+00 : f32
    %broadcast_in_dim3A_67 = vector.broadcast %broadcast_in_dim3A : f32 to vector<16xf32>
    %broadcast_in_dim3A_68 = arith.constant 0.000000e+00 : f32
    %broadcast_in_dim3A_69 = vector.broadcast %broadcast_in_dim3A_68 : f32 to vector<16xf32>
    %broadcast_in_dim3A_70 = arith.constant 0.000000e+00 : f32
    %broadcast_in_dim3A_71 = vector.broadcast %broadcast_in_dim3A_70 : f32 to vector<16xf32>
    %broadcast_in_dim3A_72 = arith.constant 0.000000e+00 : f32
    %broadcast_in_dim3A_73 = vector.broadcast %broadcast_in_dim3A_72 : f32 to vector<16xf32>
    %broadcast_in_dim3A_74 = arith.constant 0.000000e+00 : f32
    %broadcast_in_dim3A_75 = vector.broadcast %broadcast_in_dim3A_74 : f32 to vector<16xf32>
    %broadcast_in_dim3A_76 = arith.constant 0.000000e+00 : f32
    %broadcast_in_dim3A_77 = vector.broadcast %broadcast_in_dim3A_76 : f32 to vector<16xf32>
    %broadcast_in_dim3A_78 = arith.constant 0.000000e+00 : f32
    %broadcast_in_dim3A_79 = vector.broadcast %broadcast_in_dim3A_78 : f32 to vector<16xf32>
    %broadcast_in_dim3A_80 = arith.constant 0.000000e+00 : f32
    %broadcast_in_dim3A_81 = vector.broadcast %broadcast_in_dim3A_80 : f32 to vector<16xf32>
    %dma_start3A_82 = arith.constant 0 : i32
    %dma_start3A_83 = arith.constant 0 : i32
    %dma_start3A_84 = arith.constant 0 : i32
    %dma_start3A_85 = tpu.memref_slice %arg7[%dma_start3A_82, %dma_start3A_83, %dma_start3A_84] : memref<2x128x128xf32, #tpu.memory_space<vmem>> -> memref<1x128x128xf32, #tpu.memory_space<vmem>>
    %dma_start3A_86 = tpu.memref_squeeze %dma_start3A_85 : memref<1x128x128xf32, #tpu.memory_space<vmem>> -> memref<128x128xf32, #tpu.memory_space<vmem>>
    %dma_start3A_87 = arith.constant 0 : i32
    %dma_start3A_88 = arith.constant 0 : i32
    %dma_start3A_89 = tpu.memref_slice %dma_start3A_86[%dma_start3A_87, %dma_start3A_88] : memref<128x128xf32, #tpu.memory_space<vmem>> -> memref<128x128xf32, #tpu.memory_space<vmem>>
    %dma_start3A_90 = arith.constant 0 : i32
    %dma_start3A_91 = tpu.memref_slice %arg6[%dma_start3A_90] : memref<384xi32, #tpu.memory_space<vmem>> -> memref<128xi32, #tpu.memory_space<vmem>>
    %dma_start3A_92 = arith.constant 0 : i32
    %dma_start3A_93 = arith.constant 0 : i32
    %dma_start3A_94 = tpu.memref_slice %arg4[%dma_start3A_92, %dma_start3A_93] : memref<1000x128xf32, #tpu.memory_space<hbm>> -> memref<1000x128xf32, #tpu.memory_space<hbm>>
    tpu.enqueue_indirect_dma source(%dma_start3A_94 : memref<1000x128xf32, #tpu.memory_space<hbm>>) target(%dma_start3A_89 : memref<128x128xf32, #tpu.memory_space<vmem>>) offsets(%dma_start3A_91 : memref<128xi32, #tpu.memory_space<vmem>>) semaphore(%arg10 : memref<!tpu.dma_semaphore, #tpu.memory_space<semaphore_mem>>)
    %dma_start3A_95 = arith.constant 1 : i32
    %dma_start3A_96 = arith.constant 0 : i32
    %dma_start3A_97 = arith.constant 0 : i32
    %dma_start3A_98 = tpu.memref_slice %arg7[%dma_start3A_95, %dma_start3A_96, %dma_start3A_97] : memref<2x128x128xf32, #tpu.memory_space<vmem>> -> memref<1x128x128xf32, #tpu.memory_space<vmem>>
    %dma_start3A_99 = tpu.memref_squeeze %dma_start3A_98 : memref<1x128x128xf32, #tpu.memory_space<vmem>> -> memref<128x128xf32, #tpu.memory_space<vmem>>
    %dma_start3A_100 = arith.constant 0 : i32
    %dma_start3A_101 = arith.constant 0 : i32
    %dma_start3A_102 = tpu.memref_slice %dma_start3A_99[%dma_start3A_100, %dma_start3A_101] : memref<128x128xf32, #tpu.memory_space<vmem>> -> memref<128x128xf32, #tpu.memory_space<vmem>>
    %dma_start3A_103 = arith.constant 128 : i32
    %dma_start3A_104 = tpu.memref_slice %arg6[%dma_start3A_103] : memref<384xi32, #tpu.memory_space<vmem>> -> memref<128xi32, #tpu.memory_space<vmem>>
    %dma_start3A_105 = arith.constant 0 : i32
    %dma_start3A_106 = arith.constant 0 : i32
    %dma_start3A_107 = tpu.memref_slice %arg4[%dma_start3A_105, %dma_start3A_106] : memref<1000x128xf32, #tpu.memory_space<hbm>> -> memref<1000x128xf32, #tpu.memory_space<hbm>>
    tpu.enqueue_indirect_dma source(%dma_start3A_107 : memref<1000x128xf32, #tpu.memory_space<hbm>>) target(%dma_start3A_102 : memref<128x128xf32, #tpu.memory_space<vmem>>) offsets(%dma_start3A_104 : memref<128xi32, #tpu.memory_space<vmem>>) semaphore(%arg11 : memref<!tpu.dma_semaphore, #tpu.memory_space<semaphore_mem>>)
    %dma_wait3A = arith.constant 0 : i32
    %dma_wait3A_108 = arith.constant 0 : i32
    %dma_wait3A_109 = arith.constant 0 : i32
    %dma_wait3A_110 = tpu.memref_slice %arg7[%dma_wait3A, %dma_wait3A_108, %dma_wait3A_109] : memref<2x128x128xf32, #tpu.memory_space<vmem>> -> memref<1x128x128xf32, #tpu.memory_space<vmem>>
    %dma_wait3A_111 = tpu.memref_squeeze %dma_wait3A_110 : memref<1x128x128xf32, #tpu.memory_space<vmem>> -> memref<128x128xf32, #tpu.memory_space<vmem>>
    %dma_wait3A_112 = arith.constant 0 : i32
    %dma_wait3A_113 = arith.constant 0 : i32
    %dma_wait3A_114 = tpu.memref_slice %dma_wait3A_111[%dma_wait3A_112, %dma_wait3A_113] : memref<128x128xf32, #tpu.memory_space<vmem>> -> memref<128x128xf32, #tpu.memory_space<vmem>>
    %dma_wait3A_115 = arith.constant 0 : i32
    %dma_wait3A_116 = tpu.memref_slice %arg6[%dma_wait3A_115] : memref<384xi32, #tpu.memory_space<vmem>> -> memref<128xi32, #tpu.memory_space<vmem>>
    %dma_wait3A_117 = arith.constant 0 : i32
    %dma_wait3A_118 = arith.constant 0 : i32
    %dma_wait3A_119 = tpu.memref_slice %arg4[%dma_wait3A_117, %dma_wait3A_118] : memref<1000x128xf32, #tpu.memory_space<hbm>> -> memref<1000x128xf32, #tpu.memory_space<hbm>>
    tpu.wait_indirect_dma semaphore(%arg10 : memref<!tpu.dma_semaphore, #tpu.memory_space<semaphore_mem>>) src(%dma_wait3A_119 : memref<1000x128xf32, #tpu.memory_space<hbm>>) dst(%dma_wait3A_114 : memref<128x128xf32, #tpu.memory_space<vmem>>)
    %dma_wait3A_120 = arith.constant 0 : i32
    %dma_wait3A_121 = arith.constant 0 : i32
    %dma_wait3A_122 = arith.constant 0 : i32
    %dma_wait3A_123 = tpu.memref_slice %arg8[%dma_wait3A_120, %dma_wait3A_121, %dma_wait3A_122] : memref<3x128x128xf32, #tpu.memory_space<vmem>> -> memref<1x128x128xf32, #tpu.memory_space<vmem>>
    %dma_wait3A_124 = tpu.memref_squeeze %dma_wait3A_123 : memref<1x128x128xf32, #tpu.memory_space<vmem>> -> memref<128x128xf32, #tpu.memory_space<vmem>>
    %dma_wait3A_125 = arith.constant 0 : i32
    %dma_wait3A_126 = arith.constant 0 : i32
    %dma_wait3A_127 = tpu.memref_slice %dma_wait3A_124[%dma_wait3A_125, %dma_wait3A_126] : memref<128x128xf32, #tpu.memory_space<vmem>> -> memref<128x128xf32, #tpu.memory_space<vmem>>
    %dma_wait3A_128 = arith.constant 0 : i32
    %dma_wait3A_129 = tpu.memref_slice %arg2[%add3A_6, %dma_wait3A_128] : memref<16384x128xf32, #tpu.memory_space<hbm>> -> memref<128x128xf32, #tpu.memory_space<hbm>>
    %dma_wait3A_130 = arith.constant 0 : i32
    %dma_wait3A_131 = arith.constant 0 : i32
    %dma_wait3A_132 = tpu.memref_slice %arg8[%dma_wait3A_120, %dma_wait3A_130, %dma_wait3A_131] : memref<3x128x128xf32, #tpu.memory_space<vmem>> -> memref<1x128x128xf32, #tpu.memory_space<vmem>>
    %dma_wait3A_133 = tpu.memref_squeeze %dma_wait3A_132 : memref<1x128x128xf32, #tpu.memory_space<vmem>> -> memref<128x128xf32, #tpu.memory_space<vmem>>
    %dma_wait3A_134 = arith.constant 0 : i32
    %dma_wait3A_135 = arith.constant 0 : i32
    %dma_wait3A_136 = tpu.memref_slice %dma_wait3A_133[%dma_wait3A_134, %dma_wait3A_135] : memref<128x128xf32, #tpu.memory_space<vmem>> -> memref<128x128xf32, #tpu.memory_space<vmem>>
    %dma_wait3A_137 = arith.constant 0 : i32
    %dma_wait3A_138 = tpu.memref_slice %arg2[%add3A_6, %dma_wait3A_137] : memref<16384x128xf32, #tpu.memory_space<hbm>> -> memref<128x128xf32, #tpu.memory_space<hbm>>
    tpu.wait_dma2 semaphore(%arg12 : memref<!tpu.dma_semaphore, #tpu.memory_space<semaphore_mem>>) src(%dma_wait3A_138 : memref<128x128xf32, #tpu.memory_space<hbm>>) dst(%dma_wait3A_136 : memref<128x128xf32, #tpu.memory_space<vmem>>)
    %scan3A = arith.constant 0 : i32
    %scan3A_139 = arith.constant 0 : i32
    %scan3A_140 = arith.constant 0 : i32
    %scan3A_141 = arith.constant 128 : i32
    %scan3A_142 = arith.addi %scan3A_140, %scan3A_141 : i32
    %scan3A_143 = arith.constant 1 : i32
    %scan3A_144:8 = scf.for %scan3A_252 = %scan3A_140 to %scan3A_142 step %scan3A_143 iter_args(%scan3A_253 = %broadcast_in_dim3A_67, %scan3A_254 = %broadcast_in_dim3A_69, %scan3A_255 = %broadcast_in_dim3A_71, %scan3A_256 = %broadcast_in_dim3A_73, %scan3A_257 = %broadcast_in_dim3A_75, %scan3A_258 = %broadcast_in_dim3A_77, %scan3A_259 = %broadcast_in_dim3A_79, %scan3A_260 = %broadcast_in_dim3A_81) -> (vector<16xf32>, vector<16xf32>, vector<16xf32>, vector<16xf32>, vector<16xf32>, vector<16xf32>, vector<16xf32>, vector<16xf32>)  : i32 {
      %get3A = arith.constant 0 : i32
      %get3A_261 = arith.constant 0 : i32
      %get3A_262 = tpu.memref_slice %arg7[%scan3A, %get3A, %get3A_261] : memref<2x128x128xf32, #tpu.memory_space<vmem>> -> memref<1x128x128xf32, #tpu.memory_space<vmem>>
      %get3A_263 = tpu.memref_squeeze %get3A_262 : memref<1x128x128xf32, #tpu.memory_space<vmem>> -> memref<128x128xf32, #tpu.memory_space<vmem>>
      %get3A_264 = arith.index_cast %scan3A_252 : i32 to index
      %get3A_265 = arith.constant 0 : index
      %get3A_266 = tpu.vector_load %get3A_263[%get3A_264, %get3A_265] {strides = array<i32>} : memref<128x128xf32, #tpu.memory_space<vmem>>, vector<1x16xf32>,
      %get3A_267 = vector.shape_cast %get3A_266 : vector<1x16xf32> to vector<16xf32>
      %bitcast_convert_type3A = tpu.bitcast %get3A_267 : vector<16xf32> -> vector<16xi32>
      %shift_left3A = arith.constant 16 : i32
      %shift_left3A_268 = vector.broadcast %shift_left3A : i32 to vector<16xi32>
      %shift_left3A_269 = arith.shli %bitcast_convert_type3A, %shift_left3A_268 : vector<16xi32>
      %bitcast_convert_type3A_270 = tpu.bitcast %shift_left3A_269 : vector<16xi32> -> vector<16xf32>
      %and3A = arith.constant -65536 : i32
      %and3A_271 = vector.broadcast %and3A : i32 to vector<16xi32>
      %and3A_272 = arith.andi %bitcast_convert_type3A, %and3A_271 : vector<16xi32>
      %bitcast_convert_type3A_273 = tpu.bitcast %and3A_272 : vector<16xi32> -> vector<16xf32>
      %get3A_274 = arith.constant 0 : i32
      %get3A_275 = arith.constant 0 : i32
      %get3A_276 = tpu.memref_slice %arg8[%scan3A_139, %get3A_274, %get3A_275] : memref<3x128x128xf32, #tpu.memory_space<vmem>> -> memref<1x128x128xf32, #tpu.memory_space<vmem>>
      %get3A_277 = tpu.memref_squeeze %get3A_276 : memref<1x128x128xf32, #tpu.memory_space<vmem>> -> memref<128x128xf32, #tpu.memory_space<vmem>>
      %get3A_278 = arith.index_cast %scan3A_252 : i32 to index
      %get3A_279 = arith.constant 0 : index
      %get3A_280 = tpu.vector_load %get3A_277[%get3A_278, %get3A_279] {strides = array<i32>} : memref<128x128xf32, #tpu.memory_space<vmem>>, vector<1x16xf32>,
      %get3A_281 = vector.shape_cast %get3A_280 : vector<1x16xf32> to vector<16xf32>
      %get3A_282 = arith.constant 0 : i32
      %get3A_283 = arith.constant 0 : i32
      %get3A_284 = tpu.memref_slice %arg8[%scan3A_139, %get3A_282, %get3A_283] : memref<3x128x128xf32, #tpu.memory_space<vmem>> -> memref<1x128x128xf32, #tpu.memory_space<vmem>>
      %get3A_285 = tpu.memref_squeeze %get3A_284 : memref<1x128x128xf32, #tpu.memory_space<vmem>> -> memref<128x128xf32, #tpu.memory_space<vmem>>
      %get3A_286 = arith.index_cast %scan3A_252 : i32 to index
      %get3A_287 = arith.constant 64 : index
      %get3A_288 = tpu.vector_load %get3A_285[%get3A_286, %get3A_287] {strides = array<i32>} : memref<128x128xf32, #tpu.memory_space<vmem>>, vector<1x16xf32>,
      %get3A_289 = vector.shape_cast %get3A_288 : vector<1x16xf32> to vector<16xf32>
      %sub3A = arith.subf %get3A_281, %bitcast_convert_type3A_270 : vector<16xf32>
      %sub3A_290 = arith.subf %get3A_289, %bitcast_convert_type3A_273 : vector<16xf32>
      %mul3A_291 = arith.mulf %sub3A, %sub3A : vector<16xf32>
      %add3A_292 = arith.addf %scan3A_253, %mul3A_291 : vector<16xf32>
      %mul3A_293 = arith.mulf %sub3A_290, %sub3A_290 : vector<16xf32>
      %add3A_294 = arith.addf %scan3A_254, %mul3A_293 : vector<16xf32>
      %get3A_295 = arith.constant 0 : i32
      %get3A_296 = arith.constant 0 : i32
      %get3A_297 = tpu.memref_slice %arg7[%scan3A, %get3A_295, %get3A_296] : memref<2x128x128xf32, #tpu.memory_space<vmem>> -> memref<1x128x128xf32, #tpu.memory_space<vmem>>
      %get3A_298 = tpu.memref_squeeze %get3A_297 : memref<1x128x128xf32, #tpu.memory_space<vmem>> -> memref<128x128xf32, #tpu.memory_space<vmem>>
      %get3A_299 = arith.index_cast %scan3A_252 : i32 to index
      %get3A_300 = arith.constant 16 : index
      %get3A_301 = tpu.vector_load %get3A_298[%get3A_299, %get3A_300] {strides = array<i32>} : memref<128x128xf32, #tpu.memory_space<vmem>>, vector<1x16xf32>,
      %get3A_302 = vector.shape_cast %get3A_301 : vector<1x16xf32> to vector<16xf32>
      %bitcast_convert_type3A_303 = tpu.bitcast %get3A_302 : vector<16xf32> -> vector<16xi32>
      %shift_left3A_304 = arith.constant 16 : i32
      %shift_left3A_305 = vector.broadcast %shift_left3A_304 : i32 to vector<16xi32>
      %shift_left3A_306 = arith.shli %bitcast_convert_type3A_303, %shift_left3A_305 : vector<16xi32>
      %bitcast_convert_type3A_307 = tpu.bitcast %shift_left3A_306 : vector<16xi32> -> vector<16xf32>
      %and3A_308 = arith.constant -65536 : i32
      %and3A_309 = vector.broadcast %and3A_308 : i32 to vector<16xi32>
      %and3A_310 = arith.andi %bitcast_convert_type3A_303, %and3A_309 : vector<16xi32>
      %bitcast_convert_type3A_311 = tpu.bitcast %and3A_310 : vector<16xi32> -> vector<16xf32>
      %get3A_312 = arith.constant 0 : i32
      %get3A_313 = arith.constant 0 : i32
      %get3A_314 = tpu.memref_slice %arg8[%scan3A_139, %get3A_312, %get3A_313] : memref<3x128x128xf32, #tpu.memory_space<vmem>> -> memref<1x128x128xf32, #tpu.memory_space<vmem>>
      %get3A_315 = tpu.memref_squeeze %get3A_314 : memref<1x128x128xf32, #tpu.memory_space<vmem>> -> memref<128x128xf32, #tpu.memory_space<vmem>>
      %get3A_316 = arith.index_cast %scan3A_252 : i32 to index
      %get3A_317 = arith.constant 16 : index
      %get3A_318 = tpu.vector_load %get3A_315[%get3A_316, %get3A_317] {strides = array<i32>} : memref<128x128xf32, #tpu.memory_space<vmem>>, vector<1x16xf32>,
      %get3A_319 = vector.shape_cast %get3A_318 : vector<1x16xf32> to vector<16xf32>
      %get3A_320 = arith.constant 0 : i32
      %get3A_321 = arith.constant 0 : i32
      %get3A_322 = tpu.memref_slice %arg8[%scan3A_139, %get3A_320, %get3A_321] : memref<3x128x128xf32, #tpu.memory_space<vmem>> -> memref<1x128x128xf32, #tpu.memory_space<vmem>>
      %get3A_323 = tpu.memref_squeeze %get3A_322 : memref<1x128x128xf32, #tpu.memory_space<vmem>> -> memref<128x128xf32, #tpu.memory_space<vmem>>
      %get3A_324 = arith.index_cast %scan3A_252 : i32 to index
      %get3A_325 = arith.constant 80 : index
      %get3A_326 = tpu.vector_load %get3A_323[%get3A_324, %get3A_325] {strides = array<i32>} : memref<128x128xf32, #tpu.memory_space<vmem>>, vector<1x16xf32>,
      %get3A_327 = vector.shape_cast %get3A_326 : vector<1x16xf32> to vector<16xf32>
      %sub3A_328 = arith.subf %get3A_319, %bitcast_convert_type3A_307 : vector<16xf32>
      %sub3A_329 = arith.subf %get3A_327, %bitcast_convert_type3A_311 : vector<16xf32>
      %mul3A_330 = arith.mulf %sub3A_328, %sub3A_328 : vector<16xf32>
      %add3A_331 = arith.addf %scan3A_255, %mul3A_330 : vector<16xf32>
      %mul3A_332 = arith.mulf %sub3A_329, %sub3A_329 : vector<16xf32>
      %add3A_333 = arith.addf %scan3A_256, %mul3A_332 : vector<16xf32>
      %get3A_334 = arith.constant 0 : i32
      %get3A_335 = arith.constant 0 : i32
      %get3A_336 = tpu.memref_slice %arg7[%scan3A, %get3A_334, %get3A_335] : memref<2x128x128xf32, #tpu.memory_space<vmem>> -> memref<1x128x128xf32, #tpu.memory_space<vmem>>
      %get3A_337 = tpu.memref_squeeze %get3A_336 : memref<1x128x128xf32, #tpu.memory_space<vmem>> -> memref<128x128xf32, #tpu.memory_space<vmem>>
      %get3A_338 = arith.index_cast %scan3A_252 : i32 to index
      %get3A_339 = arith.constant 32 : index
      %get3A_340 = tpu.vector_load %get3A_337[%get3A_338, %get3A_339] {strides = array<i32>} : memref<128x128xf32, #tpu.memory_space<vmem>>, vector<1x16xf32>,
      %get3A_341 = vector.shape_cast %get3A_340 : vector<1x16xf32> to vector<16xf32>
      %bitcast_convert_type3A_342 = tpu.bitcast %get3A_341 : vector<16xf32> -> vector<16xi32>
      %shift_left3A_343 = arith.constant 16 : i32
      %shift_left3A_344 = vector.broadcast %shift_left3A_343 : i32 to vector<16xi32>
      %shift_left3A_345 = arith.shli %bitcast_convert_type3A_342, %shift_left3A_344 : vector<16xi32>
      %bitcast_convert_type3A_346 = tpu.bitcast %shift_left3A_345 : vector<16xi32> -> vector<16xf32>
      %and3A_347 = arith.constant -65536 : i32
      %and3A_348 = vector.broadcast %and3A_347 : i32 to vector<16xi32>
      %and3A_349 = arith.andi %bitcast_convert_type3A_342, %and3A_348 : vector<16xi32>
      %bitcast_convert_type3A_350 = tpu.bitcast %and3A_349 : vector<16xi32> -> vector<16xf32>
      %get3A_351 = arith.constant 0 : i32
      %get3A_352 = arith.constant 0 : i32
      %get3A_353 = tpu.memref_slice %arg8[%scan3A_139, %get3A_351, %get3A_352] : memref<3x128x128xf32, #tpu.memory_space<vmem>> -> memref<1x128x128xf32, #tpu.memory_space<vmem>>
      %get3A_354 = tpu.memref_squeeze %get3A_353 : memref<1x128x128xf32, #tpu.memory_space<vmem>> -> memref<128x128xf32, #tpu.memory_space<vmem>>
      %get3A_355 = arith.index_cast %scan3A_252 : i32 to index
      %get3A_356 = arith.constant 32 : index
      %get3A_357 = tpu.vector_load %get3A_354[%get3A_355, %get3A_356] {strides = array<i32>} : memref<128x128xf32, #tpu.memory_space<vmem>>, vector<1x16xf32>,
      %get3A_358 = vector.shape_cast %get3A_357 : vector<1x16xf32> to vector<16xf32>
      %get3A_359 = arith.constant 0 : i32
      %get3A_360 = arith.constant 0 : i32
      %get3A_361 = tpu.memref_slice %arg8[%scan3A_139, %get3A_359, %get3A_360] : memref<3x128x128xf32, #tpu.memory_space<vmem>> -> memref<1x128x128xf32, #tpu.memory_space<vmem>>
      %get3A_362 = tpu.memref_squeeze %get3A_361 : memref<1x128x128xf32, #tpu.memory_space<vmem>> -> memref<128x128xf32, #tpu.memory_space<vmem>>
      %get3A_363 = arith.index_cast %scan3A_252 : i32 to index
      %get3A_364 = arith.constant 96 : index
      %get3A_365 = tpu.vector_load %get3A_362[%get3A_363, %get3A_364] {strides = array<i32>} : memref<128x128xf32, #tpu.memory_space<vmem>>, vector<1x16xf32>,
      %get3A_366 = vector.shape_cast %get3A_365 : vector<1x16xf32> to vector<16xf32>
      %sub3A_367 = arith.subf %get3A_358, %bitcast_convert_type3A_346 : vector<16xf32>
      %sub3A_368 = arith.subf %get3A_366, %bitcast_convert_type3A_350 : vector<16xf32>
      %mul3A_369 = arith.mulf %sub3A_367, %sub3A_367 : vector<16xf32>
      %add3A_370 = arith.addf %scan3A_257, %mul3A_369 : vector<16xf32>
      %mul3A_371 = arith.mulf %sub3A_368, %sub3A_368 : vector<16xf32>
      %add3A_372 = arith.addf %scan3A_258, %mul3A_371 : vector<16xf32>
      %get3A_373 = arith.constant 0 : i32
      %get3A_374 = arith.constant 0 : i32
      %get3A_375 = tpu.memref_slice %arg7[%scan3A, %get3A_373, %get3A_374] : memref<2x128x128xf32, #tpu.memory_space<vmem>> -> memref<1x128x128xf32, #tpu.memory_space<vmem>>
      %get3A_376 = tpu.memref_squeeze %get3A_375 : memref<1x128x128xf32, #tpu.memory_space<vmem>> -> memref<128x128xf32, #tpu.memory_space<vmem>>
      %get3A_377 = arith.index_cast %scan3A_252 : i32 to index
      %get3A_378 = arith.constant 48 : index
      %get3A_379 = tpu.vector_load %get3A_376[%get3A_377, %get3A_378] {strides = array<i32>} : memref<128x128xf32, #tpu.memory_space<vmem>>, vector<1x16xf32>,
      %get3A_380 = vector.shape_cast %get3A_379 : vector<1x16xf32> to vector<16xf32>
      %bitcast_convert_type3A_381 = tpu.bitcast %get3A_380 : vector<16xf32> -> vector<16xi32>
      %shift_left3A_382 = arith.constant 16 : i32
      %shift_left3A_383 = vector.broadcast %shift_left3A_382 : i32 to vector<16xi32>
      %shift_left3A_384 = arith.shli %bitcast_convert_type3A_381, %shift_left3A_383 : vector<16xi32>
      %bitcast_convert_type3A_385 = tpu.bitcast %shift_left3A_384 : vector<16xi32> -> vector<16xf32>
      %and3A_386 = arith.constant -65536 : i32
      %and3A_387 = vector.broadcast %and3A_386 : i32 to vector<16xi32>
      %and3A_388 = arith.andi %bitcast_convert_type3A_381, %and3A_387 : vector<16xi32>
      %bitcast_convert_type3A_389 = tpu.bitcast %and3A_388 : vector<16xi32> -> vector<16xf32>
      %get3A_390 = arith.constant 0 : i32
      %get3A_391 = arith.constant 0 : i32
      %get3A_392 = tpu.memref_slice %arg8[%scan3A_139, %get3A_390, %get3A_391] : memref<3x128x128xf32, #tpu.memory_space<vmem>> -> memref<1x128x128xf32, #tpu.memory_space<vmem>>
      %get3A_393 = tpu.memref_squeeze %get3A_392 : memref<1x128x128xf32, #tpu.memory_space<vmem>> -> memref<128x128xf32, #tpu.memory_space<vmem>>
      %get3A_394 = arith.index_cast %scan3A_252 : i32 to index
      %get3A_395 = arith.constant 48 : index
      %get3A_396 = tpu.vector_load %get3A_393[%get3A_394, %get3A_395] {strides = array<i32>} : memref<128x128xf32, #tpu.memory_space<vmem>>, vector<1x16xf32>,
      %get3A_397 = vector.shape_cast %get3A_396 : vector<1x16xf32> to vector<16xf32>
      %get3A_398 = arith.constant 0 : i32
      %get3A_399 = arith.constant 0 : i32
      %get3A_400 = tpu.memref_slice %arg8[%scan3A_139, %get3A_398, %get3A_399] : memref<3x128x128xf32, #tpu.memory_space<vmem>> -> memref<1x128x128xf32, #tpu.memory_space<vmem>>
      %get3A_401 = tpu.memref_squeeze %get3A_400 : memref<1x128x128xf32, #tpu.memory_space<vmem>> -> memref<128x128xf32, #tpu.memory_space<vmem>>
      %get3A_402 = arith.index_cast %scan3A_252 : i32 to index
      %get3A_403 = arith.constant 112 : index
      %get3A_404 = tpu.vector_load %get3A_401[%get3A_402, %get3A_403] {strides = array<i32>} : memref<128x128xf32, #tpu.memory_space<vmem>>, vector<1x16xf32>,
      %get3A_405 = vector.shape_cast %get3A_404 : vector<1x16xf32> to vector<16xf32>
      %sub3A_406 = arith.subf %get3A_397, %bitcast_convert_type3A_385 : vector<16xf32>
      %sub3A_407 = arith.subf %get3A_405, %bitcast_convert_type3A_389 : vector<16xf32>
      %mul3A_408 = arith.mulf %sub3A_406, %sub3A_406 : vector<16xf32>
      %add3A_409 = arith.addf %scan3A_259, %mul3A_408 : vector<16xf32>
      %mul3A_410 = arith.mulf %sub3A_407, %sub3A_407 : vector<16xf32>
      %add3A_411 = arith.addf %scan3A_260, %mul3A_410 : vector<16xf32>
      scf.yield %add3A_292, %add3A_294, %add3A_331, %add3A_333, %add3A_370, %add3A_372, %add3A_409, %add3A_411 : vector<16xf32>, vector<16xf32>, vector<16xf32>, vector<16xf32>, vector<16xf32>, vector<16xf32>, vector<16xf32>, vector<16xf32>
    }
    %scan3A_145 = arith.constant 128 : i32
    %dma_start3A_146 = arith.constant 0 : i32
    %dma_start3A_147 = arith.constant 0 : i32
    %dma_start3A_148 = arith.constant 0 : i32
    %dma_start3A_149 = tpu.memref_slice %arg7[%dma_start3A_146, %dma_start3A_147, %dma_start3A_148] : memref<2x128x128xf32, #tpu.memory_space<vmem>> -> memref<1x128x128xf32, #tpu.memory_space<vmem>>
    %dma_start3A_150 = tpu.memref_squeeze %dma_start3A_149 : memref<1x128x128xf32, #tpu.memory_space<vmem>> -> memref<128x128xf32, #tpu.memory_space<vmem>>
    %dma_start3A_151 = arith.constant 0 : i32
    %dma_start3A_152 = arith.constant 0 : i32
    %dma_start3A_153 = tpu.memref_slice %dma_start3A_150[%dma_start3A_151, %dma_start3A_152] : memref<128x128xf32, #tpu.memory_space<vmem>> -> memref<128x128xf32, #tpu.memory_space<vmem>>
    %dma_start3A_154 = arith.constant 256 : i32
    %dma_start3A_155 = tpu.memref_slice %arg6[%dma_start3A_154] : memref<384xi32, #tpu.memory_space<vmem>> -> memref<128xi32, #tpu.memory_space<vmem>>
    %dma_start3A_156 = arith.constant 0 : i32
    %dma_start3A_157 = arith.constant 0 : i32
    %dma_start3A_158 = tpu.memref_slice %arg4[%dma_start3A_156, %dma_start3A_157] : memref<1000x128xf32, #tpu.memory_space<hbm>> -> memref<1000x128xf32, #tpu.memory_space<hbm>>
    tpu.enqueue_indirect_dma source(%dma_start3A_158 : memref<1000x128xf32, #tpu.memory_space<hbm>>) target(%dma_start3A_153 : memref<128x128xf32, #tpu.memory_space<vmem>>) offsets(%dma_start3A_155 : memref<128xi32, #tpu.memory_space<vmem>>) semaphore(%arg10 : memref<!tpu.dma_semaphore, #tpu.memory_space<semaphore_mem>>)
    %dma_wait3A_159 = arith.constant 1 : i32
    %dma_wait3A_160 = arith.constant 0 : i32
    %dma_wait3A_161 = arith.constant 0 : i32
    %dma_wait3A_162 = tpu.memref_slice %arg7[%dma_wait3A_159, %dma_wait3A_160, %dma_wait3A_161] : memref<2x128x128xf32, #tpu.memory_space<vmem>> -> memref<1x128x128xf32, #tpu.memory_space<vmem>>
    %dma_wait3A_163 = tpu.memref_squeeze %dma_wait3A_162 : memref<1x128x128xf32, #tpu.memory_space<vmem>> -> memref<128x128xf32, #tpu.memory_space<vmem>>
    %dma_wait3A_164 = arith.constant 0 : i32
    %dma_wait3A_165 = arith.constant 0 : i32
    %dma_wait3A_166 = tpu.memref_slice %dma_wait3A_163[%dma_wait3A_164, %dma_wait3A_165] : memref<128x128xf32, #tpu.memory_space<vmem>> -> memref<128x128xf32, #tpu.memory_space<vmem>>
    %dma_wait3A_167 = arith.constant 128 : i32
    %dma_wait3A_168 = tpu.memref_slice %arg6[%dma_wait3A_167] : memref<384xi32, #tpu.memory_space<vmem>> -> memref<128xi32, #tpu.memory_space<vmem>>
    %dma_wait3A_169 = arith.constant 0 : i32
    %dma_wait3A_170 = arith.constant 0 : i32
    %dma_wait3A_171 = tpu.memref_slice %arg4[%dma_wait3A_169, %dma_wait3A_170] : memref<1000x128xf32, #tpu.memory_space<hbm>> -> memref<1000x128xf32, #tpu.memory_space<hbm>>
    tpu.wait_indirect_dma semaphore(%arg11 : memref<!tpu.dma_semaphore, #tpu.memory_space<semaphore_mem>>) src(%dma_wait3A_171 : memref<1000x128xf32, #tpu.memory_space<hbm>>) dst(%dma_wait3A_166 : memref<128x128xf32, #tpu.memory_space<vmem>>)
    %dma_wait3A_172 = arith.constant 1 : i32
    %dma_wait3A_173 = arith.constant 0 : i32
    %dma_wait3A_174 = arith.constant 0 : i32
    %dma_wait3A_175 = tpu.memref_slice %arg8[%dma_wait3A_172, %dma_wait3A_173, %dma_wait3A_174] : memref<3x128x128xf32, #tpu.memory_space<vmem>> -> memref<1x128x128xf32, #tpu.memory_space<vmem>>
    %dma_wait3A_176 = tpu.memref_squeeze %dma_wait3A_175 : memref<1x128x128xf32, #tpu.memory_space<vmem>> -> memref<128x128xf32, #tpu.memory_space<vmem>>
    %dma_wait3A_177 = arith.constant 0 : i32
    %dma_wait3A_178 = arith.constant 0 : i32
    %dma_wait3A_179 = tpu.memref_slice %dma_wait3A_176[%dma_wait3A_177, %dma_wait3A_178] : memref<128x128xf32, #tpu.memory_space<vmem>> -> memref<128x128xf32, #tpu.memory_space<vmem>>
    %dma_wait3A_180 = arith.constant 0 : i32
    %dma_wait3A_181 = tpu.memref_slice %arg2[%add3A_26, %dma_wait3A_180] : memref<16384x128xf32, #tpu.memory_space<hbm>> -> memref<128x128xf32, #tpu.memory_space<hbm>>
    %dma_wait3A_182 = arith.constant 0 : i32
    %dma_wait3A_183 = arith.constant 0 : i32
    %dma_wait3A_184 = tpu.memref_slice %arg8[%dma_wait3A_172, %dma_wait3A_182, %dma_wait3A_183] : memref<3x128x128xf32, #tpu.memory_space<vmem>> -> memref<1x128x128xf32, #tpu.memory_space<vmem>>
    %dma_wait3A_185 = tpu.memref_squeeze %dma_wait3A_184 : memref<1x128x128xf32, #tpu.memory_space<vmem>> -> memref<128x128xf32, #tpu.memory_space<vmem>>
    %dma_wait3A_186 = arith.constant 0 : i32
    %dma_wait3A_187 = arith.constant 0 : i32
    %dma_wait3A_188 = tpu.memref_slice %dma_wait3A_185[%dma_wait3A_186, %dma_wait3A_187] : memref<128x128xf32, #tpu.memory_space<vmem>> -> memref<128x128xf32, #tpu.memory_space<vmem>>
    %dma_wait3A_189 = arith.constant 0 : i32
    %dma_wait3A_190 = tpu.memref_slice %arg2[%add3A_26, %dma_wait3A_189] : memref<16384x128xf32, #tpu.memory_space<hbm>> -> memref<128x128xf32, #tpu.memory_space<hbm>>
    tpu.wait_dma2 semaphore(%arg13 : memref<!tpu.dma_semaphore, #tpu.memory_space<semaphore_mem>>) src(%dma_wait3A_190 : memref<128x128xf32, #tpu.memory_space<hbm>>) dst(%dma_wait3A_188 : memref<128x128xf32, #tpu.memory_space<vmem>>)
    %scan3A_191 = arith.constant 1 : i32
    %scan3A_192 = arith.constant 1 : i32
    %scan3A_193 = arith.constant 0 : i32
    %scan3A_194 = arith.constant 128 : i32
    %scan3A_195 = arith.addi %scan3A_193, %scan3A_194 : i32
    %scan3A_196 = arith.constant 1 : i32
    %scan3A_197:8 = scf.for %scan3A_252 = %scan3A_193 to %scan3A_195 step %scan3A_196 iter_args(%scan3A_253 = %scan3A_144#0, %scan3A_254 = %scan3A_144#1, %scan3A_255 = %scan3A_144#2, %scan3A_256 = %scan3A_144#3, %scan3A_257 = %scan3A_144#4, %scan3A_258 = %scan3A_144#5, %scan3A_259 = %scan3A_144#6, %scan3A_260 = %scan3A_144#7) -> (vector<16xf32>, vector<16xf32>, vector<16xf32>, vector<16xf32>, vector<16xf32>, vector<16xf32>, vector<16xf32>, vector<16xf32>)  : i32 {
      %get3A = arith.constant 0 : i32
      %get3A_261 = arith.constant 0 : i32
      %get3A_262 = tpu.memref_slice %arg7[%scan3A_191, %get3A, %get3A_261] : memref<2x128x128xf32, #tpu.memory_space<vmem>> -> memref<1x128x128xf32, #tpu.memory_space<vmem>>
      %get3A_263 = tpu.memref_squeeze %get3A_262 : memref<1x128x128xf32, #tpu.memory_space<vmem>> -> memref<128x128xf32, #tpu.memory_space<vmem>>
      %get3A_264 = arith.index_cast %scan3A_252 : i32 to index
      %get3A_265 = arith.constant 0 : index
      %get3A_266 = tpu.vector_load %get3A_263[%get3A_264, %get3A_265] {strides = array<i32>} : memref<128x128xf32, #tpu.memory_space<vmem>>, vector<1x16xf32>,
      %get3A_267 = vector.shape_cast %get3A_266 : vector<1x16xf32> to vector<16xf32>
      %bitcast_convert_type3A = tpu.bitcast %get3A_267 : vector<16xf32> -> vector<16xi32>
      %shift_left3A = arith.constant 16 : i32
      %shift_left3A_268 = vector.broadcast %shift_left3A : i32 to vector<16xi32>
      %shift_left3A_269 = arith.shli %bitcast_convert_type3A, %shift_left3A_268 : vector<16xi32>
      %bitcast_convert_type3A_270 = tpu.bitcast %shift_left3A_269 : vector<16xi32> -> vector<16xf32>
      %and3A = arith.constant -65536 : i32
      %and3A_271 = vector.broadcast %and3A : i32 to vector<16xi32>
      %and3A_272 = arith.andi %bitcast_convert_type3A, %and3A_271 : vector<16xi32>
      %bitcast_convert_type3A_273 = tpu.bitcast %and3A_272 : vector<16xi32> -> vector<16xf32>
      %get3A_274 = arith.constant 0 : i32
      %get3A_275 = arith.constant 0 : i32
      %get3A_276 = tpu.memref_slice %arg8[%scan3A_192, %get3A_274, %get3A_275] : memref<3x128x128xf32, #tpu.memory_space<vmem>> -> memref<1x128x128xf32, #tpu.memory_space<vmem>>
      %get3A_277 = tpu.memref_squeeze %get3A_276 : memref<1x128x128xf32, #tpu.memory_space<vmem>> -> memref<128x128xf32, #tpu.memory_space<vmem>>
      %get3A_278 = arith.index_cast %scan3A_252 : i32 to index
      %get3A_279 = arith.constant 0 : index
      %get3A_280 = tpu.vector_load %get3A_277[%get3A_278, %get3A_279] {strides = array<i32>} : memref<128x128xf32, #tpu.memory_space<vmem>>, vector<1x16xf32>,
      %get3A_281 = vector.shape_cast %get3A_280 : vector<1x16xf32> to vector<16xf32>
      %get3A_282 = arith.constant 0 : i32
      %get3A_283 = arith.constant 0 : i32
      %get3A_284 = tpu.memref_slice %arg8[%scan3A_192, %get3A_282, %get3A_283] : memref<3x128x128xf32, #tpu.memory_space<vmem>> -> memref<1x128x128xf32, #tpu.memory_space<vmem>>
      %get3A_285 = tpu.memref_squeeze %get3A_284 : memref<1x128x128xf32, #tpu.memory_space<vmem>> -> memref<128x128xf32, #tpu.memory_space<vmem>>
      %get3A_286 = arith.index_cast %scan3A_252 : i32 to index
      %get3A_287 = arith.constant 64 : index
      %get3A_288 = tpu.vector_load %get3A_285[%get3A_286, %get3A_287] {strides = array<i32>} : memref<128x128xf32, #tpu.memory_space<vmem>>, vector<1x16xf32>,
      %get3A_289 = vector.shape_cast %get3A_288 : vector<1x16xf32> to vector<16xf32>
      %sub3A = arith.subf %get3A_281, %bitcast_convert_type3A_270 : vector<16xf32>
      %sub3A_290 = arith.subf %get3A_289, %bitcast_convert_type3A_273 : vector<16xf32>
      %mul3A_291 = arith.mulf %sub3A, %sub3A : vector<16xf32>
      %add3A_292 = arith.addf %scan3A_253, %mul3A_291 : vector<16xf32>
      %mul3A_293 = arith.mulf %sub3A_290, %sub3A_290 : vector<16xf32>
      %add3A_294 = arith.addf %scan3A_254, %mul3A_293 : vector<16xf32>
      %get3A_295 = arith.constant 0 : i32
      %get3A_296 = arith.constant 0 : i32
      %get3A_297 = tpu.memref_slice %arg7[%scan3A_191, %get3A_295, %get3A_296] : memref<2x128x128xf32, #tpu.memory_space<vmem>> -> memref<1x128x128xf32, #tpu.memory_space<vmem>>
      %get3A_298 = tpu.memref_squeeze %get3A_297 : memref<1x128x128xf32, #tpu.memory_space<vmem>> -> memref<128x128xf32, #tpu.memory_space<vmem>>
      %get3A_299 = arith.index_cast %scan3A_252 : i32 to index
      %get3A_300 = arith.constant 16 : index
      %get3A_301 = tpu.vector_load %get3A_298[%get3A_299, %get3A_300] {strides = array<i32>} : memref<128x128xf32, #tpu.memory_space<vmem>>, vector<1x16xf32>,
      %get3A_302 = vector.shape_cast %get3A_301 : vector<1x16xf32> to vector<16xf32>
      %bitcast_convert_type3A_303 = tpu.bitcast %get3A_302 : vector<16xf32> -> vector<16xi32>
      %shift_left3A_304 = arith.constant 16 : i32
      %shift_left3A_305 = vector.broadcast %shift_left3A_304 : i32 to vector<16xi32>
      %shift_left3A_306 = arith.shli %bitcast_convert_type3A_303, %shift_left3A_305 : vector<16xi32>
      %bitcast_convert_type3A_307 = tpu.bitcast %shift_left3A_306 : vector<16xi32> -> vector<16xf32>
      %and3A_308 = arith.constant -65536 : i32
      %and3A_309 = vector.broadcast %and3A_308 : i32 to vector<16xi32>
      %and3A_310 = arith.andi %bitcast_convert_type3A_303, %and3A_309 : vector<16xi32>
      %bitcast_convert_type3A_311 = tpu.bitcast %and3A_310 : vector<16xi32> -> vector<16xf32>
      %get3A_312 = arith.constant 0 : i32
      %get3A_313 = arith.constant 0 : i32
      %get3A_314 = tpu.memref_slice %arg8[%scan3A_192, %get3A_312, %get3A_313] : memref<3x128x128xf32, #tpu.memory_space<vmem>> -> memref<1x128x128xf32, #tpu.memory_space<vmem>>
      %get3A_315 = tpu.memref_squeeze %get3A_314 : memref<1x128x128xf32, #tpu.memory_space<vmem>> -> memref<128x128xf32, #tpu.memory_space<vmem>>
      %get3A_316 = arith.index_cast %scan3A_252 : i32 to index
      %get3A_317 = arith.constant 16 : index
      %get3A_318 = tpu.vector_load %get3A_315[%get3A_316, %get3A_317] {strides = array<i32>} : memref<128x128xf32, #tpu.memory_space<vmem>>, vector<1x16xf32>,
      %get3A_319 = vector.shape_cast %get3A_318 : vector<1x16xf32> to vector<16xf32>
      %get3A_320 = arith.constant 0 : i32
      %get3A_321 = arith.constant 0 : i32
      %get3A_322 = tpu.memref_slice %arg8[%scan3A_192, %get3A_320, %get3A_321] : memref<3x128x128xf32, #tpu.memory_space<vmem>> -> memref<1x128x128xf32, #tpu.memory_space<vmem>>
      %get3A_323 = tpu.memref_squeeze %get3A_322 : memref<1x128x128xf32, #tpu.memory_space<vmem>> -> memref<128x128xf32, #tpu.memory_space<vmem>>
      %get3A_324 = arith.index_cast %scan3A_252 : i32 to index
      %get3A_325 = arith.constant 80 : index
      %get3A_326 = tpu.vector_load %get3A_323[%get3A_324, %get3A_325] {strides = array<i32>} : memref<128x128xf32, #tpu.memory_space<vmem>>, vector<1x16xf32>,
      %get3A_327 = vector.shape_cast %get3A_326 : vector<1x16xf32> to vector<16xf32>
      %sub3A_328 = arith.subf %get3A_319, %bitcast_convert_type3A_307 : vector<16xf32>
      %sub3A_329 = arith.subf %get3A_327, %bitcast_convert_type3A_311 : vector<16xf32>
      %mul3A_330 = arith.mulf %sub3A_328, %sub3A_328 : vector<16xf32>
      %add3A_331 = arith.addf %scan3A_255, %mul3A_330 : vector<16xf32>
      %mul3A_332 = arith.mulf %sub3A_329, %sub3A_329 : vector<16xf32>
      %add3A_333 = arith.addf %scan3A_256, %mul3A_332 : vector<16xf32>
      %get3A_334 = arith.constant 0 : i32
      %get3A_335 = arith.constant 0 : i32
      %get3A_336 = tpu.memref_slice %arg7[%scan3A_191, %get3A_334, %get3A_335] : memref<2x128x128xf32, #tpu.memory_space<vmem>> -> memref<1x128x128xf32, #tpu.memory_space<vmem>>
      %get3A_337 = tpu.memref_squeeze %get3A_336 : memref<1x128x128xf32, #tpu.memory_space<vmem>> -> memref<128x128xf32, #tpu.memory_space<vmem>>
      %get3A_338 = arith.index_cast %scan3A_252 : i32 to index
      %get3A_339 = arith.constant 32 : index
      %get3A_340 = tpu.vector_load %get3A_337[%get3A_338, %get3A_339] {strides = array<i32>} : memref<128x128xf32, #tpu.memory_space<vmem>>, vector<1x16xf32>,
      %get3A_341 = vector.shape_cast %get3A_340 : vector<1x16xf32> to vector<16xf32>
      %bitcast_convert_type3A_342 = tpu.bitcast %get3A_341 : vector<16xf32> -> vector<16xi32>
      %shift_left3A_343 = arith.constant 16 : i32
      %shift_left3A_344 = vector.broadcast %shift_left3A_343 : i32 to vector<16xi32>
      %shift_left3A_345 = arith.shli %bitcast_convert_type3A_342, %shift_left3A_344 : vector<16xi32>
      %bitcast_convert_type3A_346 = tpu.bitcast %shift_left3A_345 : vector<16xi32> -> vector<16xf32>
      %and3A_347 = arith.constant -65536 : i32
      %and3A_348 = vector.broadcast %and3A_347 : i32 to vector<16xi32>
      %and3A_349 = arith.andi %bitcast_convert_type3A_342, %and3A_348 : vector<16xi32>
      %bitcast_convert_type3A_350 = tpu.bitcast %and3A_349 : vector<16xi32> -> vector<16xf32>
      %get3A_351 = arith.constant 0 : i32
      %get3A_352 = arith.constant 0 : i32
      %get3A_353 = tpu.memref_slice %arg8[%scan3A_192, %get3A_351, %get3A_352] : memref<3x128x128xf32, #tpu.memory_space<vmem>> -> memref<1x128x128xf32, #tpu.memory_space<vmem>>
      %get3A_354 = tpu.memref_squeeze %get3A_353 : memref<1x128x128xf32, #tpu.memory_space<vmem>> -> memref<128x128xf32, #tpu.memory_space<vmem>>
      %get3A_355 = arith.index_cast %scan3A_252 : i32 to index
      %get3A_356 = arith.constant 32 : index
      %get3A_357 = tpu.vector_load %get3A_354[%get3A_355, %get3A_356] {strides = array<i32>} : memref<128x128xf32, #tpu.memory_space<vmem>>, vector<1x16xf32>,
      %get3A_358 = vector.shape_cast %get3A_357 : vector<1x16xf32> to vector<16xf32>
      %get3A_359 = arith.constant 0 : i32
      %get3A_360 = arith.constant 0 : i32
      %get3A_361 = tpu.memref_slice %arg8[%scan3A_192, %get3A_359, %get3A_360] : memref<3x128x128xf32, #tpu.memory_space<vmem>> -> memref<1x128x128xf32, #tpu.memory_space<vmem>>
      %get3A_362 = tpu.memref_squeeze %get3A_361 : memref<1x128x128xf32, #tpu.memory_space<vmem>> -> memref<128x128xf32, #tpu.memory_space<vmem>>
      %get3A_363 = arith.index_cast %scan3A_252 : i32 to index
      %get3A_364 = arith.constant 96 : index
      %get3A_365 = tpu.vector_load %get3A_362[%get3A_363, %get3A_364] {strides = array<i32>} : memref<128x128xf32, #tpu.memory_space<vmem>>, vector<1x16xf32>,
      %get3A_366 = vector.shape_cast %get3A_365 : vector<1x16xf32> to vector<16xf32>
      %sub3A_367 = arith.subf %get3A_358, %bitcast_convert_type3A_346 : vector<16xf32>
      %sub3A_368 = arith.subf %get3A_366, %bitcast_convert_type3A_350 : vector<16xf32>
      %mul3A_369 = arith.mulf %sub3A_367, %sub3A_367 : vector<16xf32>
      %add3A_370 = arith.addf %scan3A_257, %mul3A_369 : vector<16xf32>
      %mul3A_371 = arith.mulf %sub3A_368, %sub3A_368 : vector<16xf32>
      %add3A_372 = arith.addf %scan3A_258, %mul3A_371 : vector<16xf32>
      %get3A_373 = arith.constant 0 : i32
      %get3A_374 = arith.constant 0 : i32
      %get3A_375 = tpu.memref_slice %arg7[%scan3A_191, %get3A_373, %get3A_374] : memref<2x128x128xf32, #tpu.memory_space<vmem>> -> memref<1x128x128xf32, #tpu.memory_space<vmem>>
      %get3A_376 = tpu.memref_squeeze %get3A_375 : memref<1x128x128xf32, #tpu.memory_space<vmem>> -> memref<128x128xf32, #tpu.memory_space<vmem>>
      %get3A_377 = arith.index_cast %scan3A_252 : i32 to index
      %get3A_378 = arith.constant 48 : index
      %get3A_379 = tpu.vector_load %get3A_376[%get3A_377, %get3A_378] {strides = array<i32>} : memref<128x128xf32, #tpu.memory_space<vmem>>, vector<1x16xf32>,
      %get3A_380 = vector.shape_cast %get3A_379 : vector<1x16xf32> to vector<16xf32>
      %bitcast_convert_type3A_381 = tpu.bitcast %get3A_380 : vector<16xf32> -> vector<16xi32>
      %shift_left3A_382 = arith.constant 16 : i32
      %shift_left3A_383 = vector.broadcast %shift_left3A_382 : i32 to vector<16xi32>
      %shift_left3A_384 = arith.shli %bitcast_convert_type3A_381, %shift_left3A_383 : vector<16xi32>
      %bitcast_convert_type3A_385 = tpu.bitcast %shift_left3A_384 : vector<16xi32> -> vector<16xf32>
      %and3A_386 = arith.constant -65536 : i32
      %and3A_387 = vector.broadcast %and3A_386 : i32 to vector<16xi32>
      %and3A_388 = arith.andi %bitcast_convert_type3A_381, %and3A_387 : vector<16xi32>
      %bitcast_convert_type3A_389 = tpu.bitcast %and3A_388 : vector<16xi32> -> vector<16xf32>
      %get3A_390 = arith.constant 0 : i32
      %get3A_391 = arith.constant 0 : i32
      %get3A_392 = tpu.memref_slice %arg8[%scan3A_192, %get3A_390, %get3A_391] : memref<3x128x128xf32, #tpu.memory_space<vmem>> -> memref<1x128x128xf32, #tpu.memory_space<vmem>>
      %get3A_393 = tpu.memref_squeeze %get3A_392 : memref<1x128x128xf32, #tpu.memory_space<vmem>> -> memref<128x128xf32, #tpu.memory_space<vmem>>
      %get3A_394 = arith.index_cast %scan3A_252 : i32 to index
      %get3A_395 = arith.constant 48 : index
      %get3A_396 = tpu.vector_load %get3A_393[%get3A_394, %get3A_395] {strides = array<i32>} : memref<128x128xf32, #tpu.memory_space<vmem>>, vector<1x16xf32>,
      %get3A_397 = vector.shape_cast %get3A_396 : vector<1x16xf32> to vector<16xf32>
      %get3A_398 = arith.constant 0 : i32
      %get3A_399 = arith.constant 0 : i32
      %get3A_400 = tpu.memref_slice %arg8[%scan3A_192, %get3A_398, %get3A_399] : memref<3x128x128xf32, #tpu.memory_space<vmem>> -> memref<1x128x128xf32, #tpu.memory_space<vmem>>
      %get3A_401 = tpu.memref_squeeze %get3A_400 : memref<1x128x128xf32, #tpu.memory_space<vmem>> -> memref<128x128xf32, #tpu.memory_space<vmem>>
      %get3A_402 = arith.index_cast %scan3A_252 : i32 to index
      %get3A_403 = arith.constant 112 : index
      %get3A_404 = tpu.vector_load %get3A_401[%get3A_402, %get3A_403] {strides = array<i32>} : memref<128x128xf32, #tpu.memory_space<vmem>>, vector<1x16xf32>,
      %get3A_405 = vector.shape_cast %get3A_404 : vector<1x16xf32> to vector<16xf32>
      %sub3A_406 = arith.subf %get3A_397, %bitcast_convert_type3A_385 : vector<16xf32>
      %sub3A_407 = arith.subf %get3A_405, %bitcast_convert_type3A_389 : vector<16xf32>
      %mul3A_408 = arith.mulf %sub3A_406, %sub3A_406 : vector<16xf32>
      %add3A_409 = arith.addf %scan3A_259, %mul3A_408 : vector<16xf32>
      %mul3A_410 = arith.mulf %sub3A_407, %sub3A_407 : vector<16xf32>
      %add3A_411 = arith.addf %scan3A_260, %mul3A_410 : vector<16xf32>
      scf.yield %add3A_292, %add3A_294, %add3A_331, %add3A_333, %add3A_370, %add3A_372, %add3A_409, %add3A_411 : vector<16xf32>, vector<16xf32>, vector<16xf32>, vector<16xf32>, vector<16xf32>, vector<16xf32>, vector<16xf32>, vector<16xf32>
    }
    %scan3A_198 = arith.constant 128 : i32
    %dma_wait3A_199 = arith.constant 0 : i32
    %dma_wait3A_200 = arith.constant 0 : i32
    %dma_wait3A_201 = arith.constant 0 : i32
    %dma_wait3A_202 = tpu.memref_slice %arg7[%dma_wait3A_199, %dma_wait3A_200, %dma_wait3A_201] : memref<2x128x128xf32, #tpu.memory_space<vmem>> -> memref<1x128x128xf32, #tpu.memory_space<vmem>>
    %dma_wait3A_203 = tpu.memref_squeeze %dma_wait3A_202 : memref<1x128x128xf32, #tpu.memory_space<vmem>> -> memref<128x128xf32, #tpu.memory_space<vmem>>
    %dma_wait3A_204 = arith.constant 0 : i32
    %dma_wait3A_205 = arith.constant 0 : i32
    %dma_wait3A_206 = tpu.memref_slice %dma_wait3A_203[%dma_wait3A_204, %dma_wait3A_205] : memref<128x128xf32, #tpu.memory_space<vmem>> -> memref<128x128xf32, #tpu.memory_space<vmem>>
    %dma_wait3A_207 = arith.constant 256 : i32
    %dma_wait3A_208 = tpu.memref_slice %arg6[%dma_wait3A_207] : memref<384xi32, #tpu.memory_space<vmem>> -> memref<128xi32, #tpu.memory_space<vmem>>
    %dma_wait3A_209 = arith.constant 0 : i32
    %dma_wait3A_210 = arith.constant 0 : i32
    %dma_wait3A_211 = tpu.memref_slice %arg4[%dma_wait3A_209, %dma_wait3A_210] : memref<1000x128xf32, #tpu.memory_space<hbm>> -> memref<1000x128xf32, #tpu.memory_space<hbm>>
    tpu.wait_indirect_dma semaphore(%arg10 : memref<!tpu.dma_semaphore, #tpu.memory_space<semaphore_mem>>) src(%dma_wait3A_211 : memref<1000x128xf32, #tpu.memory_space<hbm>>) dst(%dma_wait3A_206 : memref<128x128xf32, #tpu.memory_space<vmem>>)
    %dma_wait3A_212 = arith.constant 2 : i32
    %dma_wait3A_213 = arith.constant 0 : i32
    %dma_wait3A_214 = arith.constant 0 : i32
    %dma_wait3A_215 = tpu.memref_slice %arg8[%dma_wait3A_212, %dma_wait3A_213, %dma_wait3A_214] : memref<3x128x128xf32, #tpu.memory_space<vmem>> -> memref<1x128x128xf32, #tpu.memory_space<vmem>>
    %dma_wait3A_216 = tpu.memref_squeeze %dma_wait3A_215 : memref<1x128x128xf32, #tpu.memory_space<vmem>> -> memref<128x128xf32, #tpu.memory_space<vmem>>
    %dma_wait3A_217 = arith.constant 0 : i32
    %dma_wait3A_218 = arith.constant 0 : i32
    %dma_wait3A_219 = tpu.memref_slice %dma_wait3A_216[%dma_wait3A_217, %dma_wait3A_218] : memref<128x128xf32, #tpu.memory_space<vmem>> -> memref<128x128xf32, #tpu.memory_space<vmem>>
    %dma_wait3A_220 = arith.constant 0 : i32
    %dma_wait3A_221 = tpu.memref_slice %arg2[%add3A_47, %dma_wait3A_220] : memref<16384x128xf32, #tpu.memory_space<hbm>> -> memref<128x128xf32, #tpu.memory_space<hbm>>
    %dma_wait3A_222 = arith.constant 0 : i32
    %dma_wait3A_223 = arith.constant 0 : i32
    %dma_wait3A_224 = tpu.memref_slice %arg8[%dma_wait3A_212, %dma_wait3A_222, %dma_wait3A_223] : memref<3x128x128xf32, #tpu.memory_space<vmem>> -> memref<1x128x128xf32, #tpu.memory_space<vmem>>
    %dma_wait3A_225 = tpu.memref_squeeze %dma_wait3A_224 : memref<1x128x128xf32, #tpu.memory_space<vmem>> -> memref<128x128xf32, #tpu.memory_space<vmem>>
    %dma_wait3A_226 = arith.constant 0 : i32
    %dma_wait3A_227 = arith.constant 0 : i32
    %dma_wait3A_228 = tpu.memref_slice %dma_wait3A_225[%dma_wait3A_226, %dma_wait3A_227] : memref<128x128xf32, #tpu.memory_space<vmem>> -> memref<128x128xf32, #tpu.memory_space<vmem>>
    %dma_wait3A_229 = arith.constant 0 : i32
    %dma_wait3A_230 = tpu.memref_slice %arg2[%add3A_47, %dma_wait3A_229] : memref<16384x128xf32, #tpu.memory_space<hbm>> -> memref<128x128xf32, #tpu.memory_space<hbm>>
    tpu.wait_dma2 semaphore(%arg14 : memref<!tpu.dma_semaphore, #tpu.memory_space<semaphore_mem>>) src(%dma_wait3A_230 : memref<128x128xf32, #tpu.memory_space<hbm>>) dst(%dma_wait3A_228 : memref<128x128xf32, #tpu.memory_space<vmem>>)
    %scan3A_231 = arith.constant 0 : i32
    %scan3A_232 = arith.constant 2 : i32
    %scan3A_233 = arith.constant 0 : i32
    %scan3A_234 = arith.constant 128 : i32
    %scan3A_235 = arith.addi %scan3A_233, %scan3A_234 : i32
    %scan3A_236 = arith.constant 1 : i32
    %scan3A_237:8 = scf.for %scan3A_252 = %scan3A_233 to %scan3A_235 step %scan3A_236 iter_args(%scan3A_253 = %scan3A_197#0, %scan3A_254 = %scan3A_197#1, %scan3A_255 = %scan3A_197#2, %scan3A_256 = %scan3A_197#3, %scan3A_257 = %scan3A_197#4, %scan3A_258 = %scan3A_197#5, %scan3A_259 = %scan3A_197#6, %scan3A_260 = %scan3A_197#7) -> (vector<16xf32>, vector<16xf32>, vector<16xf32>, vector<16xf32>, vector<16xf32>, vector<16xf32>, vector<16xf32>, vector<16xf32>)  : i32 {
      %get3A = arith.constant 0 : i32
      %get3A_261 = arith.constant 0 : i32
      %get3A_262 = tpu.memref_slice %arg7[%scan3A_231, %get3A, %get3A_261] : memref<2x128x128xf32, #tpu.memory_space<vmem>> -> memref<1x128x128xf32, #tpu.memory_space<vmem>>
      %get3A_263 = tpu.memref_squeeze %get3A_262 : memref<1x128x128xf32, #tpu.memory_space<vmem>> -> memref<128x128xf32, #tpu.memory_space<vmem>>
      %get3A_264 = arith.index_cast %scan3A_252 : i32 to index
      %get3A_265 = arith.constant 0 : index
      %get3A_266 = tpu.vector_load %get3A_263[%get3A_264, %get3A_265] {strides = array<i32>} : memref<128x128xf32, #tpu.memory_space<vmem>>, vector<1x16xf32>,
      %get3A_267 = vector.shape_cast %get3A_266 : vector<1x16xf32> to vector<16xf32>
      %bitcast_convert_type3A = tpu.bitcast %get3A_267 : vector<16xf32> -> vector<16xi32>
      %shift_left3A = arith.constant 16 : i32
      %shift_left3A_268 = vector.broadcast %shift_left3A : i32 to vector<16xi32>
      %shift_left3A_269 = arith.shli %bitcast_convert_type3A, %shift_left3A_268 : vector<16xi32>
      %bitcast_convert_type3A_270 = tpu.bitcast %shift_left3A_269 : vector<16xi32> -> vector<16xf32>
      %and3A = arith.constant -65536 : i32
      %and3A_271 = vector.broadcast %and3A : i32 to vector<16xi32>
      %and3A_272 = arith.andi %bitcast_convert_type3A, %and3A_271 : vector<16xi32>
      %bitcast_convert_type3A_273 = tpu.bitcast %and3A_272 : vector<16xi32> -> vector<16xf32>
      %get3A_274 = arith.constant 0 : i32
      %get3A_275 = arith.constant 0 : i32
      %get3A_276 = tpu.memref_slice %arg8[%scan3A_232, %get3A_274, %get3A_275] : memref<3x128x128xf32, #tpu.memory_space<vmem>> -> memref<1x128x128xf32, #tpu.memory_space<vmem>>
      %get3A_277 = tpu.memref_squeeze %get3A_276 : memref<1x128x128xf32, #tpu.memory_space<vmem>> -> memref<128x128xf32, #tpu.memory_space<vmem>>
      %get3A_278 = arith.index_cast %scan3A_252 : i32 to index
      %get3A_279 = arith.constant 0 : index
      %get3A_280 = tpu.vector_load %get3A_277[%get3A_278, %get3A_279] {strides = array<i32>} : memref<128x128xf32, #tpu.memory_space<vmem>>, vector<1x16xf32>,
      %get3A_281 = vector.shape_cast %get3A_280 : vector<1x16xf32> to vector<16xf32>
      %get3A_282 = arith.constant 0 : i32
      %get3A_283 = arith.constant 0 : i32
      %get3A_284 = tpu.memref_slice %arg8[%scan3A_232, %get3A_282, %get3A_283] : memref<3x128x128xf32, #tpu.memory_space<vmem>> -> memref<1x128x128xf32, #tpu.memory_space<vmem>>
      %get3A_285 = tpu.memref_squeeze %get3A_284 : memref<1x128x128xf32, #tpu.memory_space<vmem>> -> memref<128x128xf32, #tpu.memory_space<vmem>>
      %get3A_286 = arith.index_cast %scan3A_252 : i32 to index
      %get3A_287 = arith.constant 64 : index
      %get3A_288 = tpu.vector_load %get3A_285[%get3A_286, %get3A_287] {strides = array<i32>} : memref<128x128xf32, #tpu.memory_space<vmem>>, vector<1x16xf32>,
      %get3A_289 = vector.shape_cast %get3A_288 : vector<1x16xf32> to vector<16xf32>
      %sub3A = arith.subf %get3A_281, %bitcast_convert_type3A_270 : vector<16xf32>
      %sub3A_290 = arith.subf %get3A_289, %bitcast_convert_type3A_273 : vector<16xf32>
      %mul3A_291 = arith.mulf %sub3A, %sub3A : vector<16xf32>
      %add3A_292 = arith.addf %scan3A_253, %mul3A_291 : vector<16xf32>
      %mul3A_293 = arith.mulf %sub3A_290, %sub3A_290 : vector<16xf32>
      %add3A_294 = arith.addf %scan3A_254, %mul3A_293 : vector<16xf32>
      %get3A_295 = arith.constant 0 : i32
      %get3A_296 = arith.constant 0 : i32
      %get3A_297 = tpu.memref_slice %arg7[%scan3A_231, %get3A_295, %get3A_296] : memref<2x128x128xf32, #tpu.memory_space<vmem>> -> memref<1x128x128xf32, #tpu.memory_space<vmem>>
      %get3A_298 = tpu.memref_squeeze %get3A_297 : memref<1x128x128xf32, #tpu.memory_space<vmem>> -> memref<128x128xf32, #tpu.memory_space<vmem>>
      %get3A_299 = arith.index_cast %scan3A_252 : i32 to index
      %get3A_300 = arith.constant 16 : index
      %get3A_301 = tpu.vector_load %get3A_298[%get3A_299, %get3A_300] {strides = array<i32>} : memref<128x128xf32, #tpu.memory_space<vmem>>, vector<1x16xf32>,
      %get3A_302 = vector.shape_cast %get3A_301 : vector<1x16xf32> to vector<16xf32>
      %bitcast_convert_type3A_303 = tpu.bitcast %get3A_302 : vector<16xf32> -> vector<16xi32>
      %shift_left3A_304 = arith.constant 16 : i32
      %shift_left3A_305 = vector.broadcast %shift_left3A_304 : i32 to vector<16xi32>
      %shift_left3A_306 = arith.shli %bitcast_convert_type3A_303, %shift_left3A_305 : vector<16xi32>
      %bitcast_convert_type3A_307 = tpu.bitcast %shift_left3A_306 : vector<16xi32> -> vector<16xf32>
      %and3A_308 = arith.constant -65536 : i32
      %and3A_309 = vector.broadcast %and3A_308 : i32 to vector<16xi32>
      %and3A_310 = arith.andi %bitcast_convert_type3A_303, %and3A_309 : vector<16xi32>
      %bitcast_convert_type3A_311 = tpu.bitcast %and3A_310 : vector<16xi32> -> vector<16xf32>
      %get3A_312 = arith.constant 0 : i32
      %get3A_313 = arith.constant 0 : i32
      %get3A_314 = tpu.memref_slice %arg8[%scan3A_232, %get3A_312, %get3A_313] : memref<3x128x128xf32, #tpu.memory_space<vmem>> -> memref<1x128x128xf32, #tpu.memory_space<vmem>>
      %get3A_315 = tpu.memref_squeeze %get3A_314 : memref<1x128x128xf32, #tpu.memory_space<vmem>> -> memref<128x128xf32, #tpu.memory_space<vmem>>
      %get3A_316 = arith.index_cast %scan3A_252 : i32 to index
      %get3A_317 = arith.constant 16 : index
      %get3A_318 = tpu.vector_load %get3A_315[%get3A_316, %get3A_317] {strides = array<i32>} : memref<128x128xf32, #tpu.memory_space<vmem>>, vector<1x16xf32>,
      %get3A_319 = vector.shape_cast %get3A_318 : vector<1x16xf32> to vector<16xf32>
      %get3A_320 = arith.constant 0 : i32
      %get3A_321 = arith.constant 0 : i32
      %get3A_322 = tpu.memref_slice %arg8[%scan3A_232, %get3A_320, %get3A_321] : memref<3x128x128xf32, #tpu.memory_space<vmem>> -> memref<1x128x128xf32, #tpu.memory_space<vmem>>
      %get3A_323 = tpu.memref_squeeze %get3A_322 : memref<1x128x128xf32, #tpu.memory_space<vmem>> -> memref<128x128xf32, #tpu.memory_space<vmem>>
      %get3A_324 = arith.index_cast %scan3A_252 : i32 to index
      %get3A_325 = arith.constant 80 : index
      %get3A_326 = tpu.vector_load %get3A_323[%get3A_324, %get3A_325] {strides = array<i32>} : memref<128x128xf32, #tpu.memory_space<vmem>>, vector<1x16xf32>,
      %get3A_327 = vector.shape_cast %get3A_326 : vector<1x16xf32> to vector<16xf32>
      %sub3A_328 = arith.subf %get3A_319, %bitcast_convert_type3A_307 : vector<16xf32>
      %sub3A_329 = arith.subf %get3A_327, %bitcast_convert_type3A_311 : vector<16xf32>
      %mul3A_330 = arith.mulf %sub3A_328, %sub3A_328 : vector<16xf32>
      %add3A_331 = arith.addf %scan3A_255, %mul3A_330 : vector<16xf32>
      %mul3A_332 = arith.mulf %sub3A_329, %sub3A_329 : vector<16xf32>
      %add3A_333 = arith.addf %scan3A_256, %mul3A_332 : vector<16xf32>
      %get3A_334 = arith.constant 0 : i32
      %get3A_335 = arith.constant 0 : i32
      %get3A_336 = tpu.memref_slice %arg7[%scan3A_231, %get3A_334, %get3A_335] : memref<2x128x128xf32, #tpu.memory_space<vmem>> -> memref<1x128x128xf32, #tpu.memory_space<vmem>>
      %get3A_337 = tpu.memref_squeeze %get3A_336 : memref<1x128x128xf32, #tpu.memory_space<vmem>> -> memref<128x128xf32, #tpu.memory_space<vmem>>
      %get3A_338 = arith.index_cast %scan3A_252 : i32 to index
      %get3A_339 = arith.constant 32 : index
      %get3A_340 = tpu.vector_load %get3A_337[%get3A_338, %get3A_339] {strides = array<i32>} : memref<128x128xf32, #tpu.memory_space<vmem>>, vector<1x16xf32>,
      %get3A_341 = vector.shape_cast %get3A_340 : vector<1x16xf32> to vector<16xf32>
      %bitcast_convert_type3A_342 = tpu.bitcast %get3A_341 : vector<16xf32> -> vector<16xi32>
      %shift_left3A_343 = arith.constant 16 : i32
      %shift_left3A_344 = vector.broadcast %shift_left3A_343 : i32 to vector<16xi32>
      %shift_left3A_345 = arith.shli %bitcast_convert_type3A_342, %shift_left3A_344 : vector<16xi32>
      %bitcast_convert_type3A_346 = tpu.bitcast %shift_left3A_345 : vector<16xi32> -> vector<16xf32>
      %and3A_347 = arith.constant -65536 : i32
      %and3A_348 = vector.broadcast %and3A_347 : i32 to vector<16xi32>
      %and3A_349 = arith.andi %bitcast_convert_type3A_342, %and3A_348 : vector<16xi32>
      %bitcast_convert_type3A_350 = tpu.bitcast %and3A_349 : vector<16xi32> -> vector<16xf32>
      %get3A_351 = arith.constant 0 : i32
      %get3A_352 = arith.constant 0 : i32
      %get3A_353 = tpu.memref_slice %arg8[%scan3A_232, %get3A_351, %get3A_352] : memref<3x128x128xf32, #tpu.memory_space<vmem>> -> memref<1x128x128xf32, #tpu.memory_space<vmem>>
      %get3A_354 = tpu.memref_squeeze %get3A_353 : memref<1x128x128xf32, #tpu.memory_space<vmem>> -> memref<128x128xf32, #tpu.memory_space<vmem>>
      %get3A_355 = arith.index_cast %scan3A_252 : i32 to index
      %get3A_356 = arith.constant 32 : index
      %get3A_357 = tpu.vector_load %get3A_354[%get3A_355, %get3A_356] {strides = array<i32>} : memref<128x128xf32, #tpu.memory_space<vmem>>, vector<1x16xf32>,
      %get3A_358 = vector.shape_cast %get3A_357 : vector<1x16xf32> to vector<16xf32>
      %get3A_359 = arith.constant 0 : i32
      %get3A_360 = arith.constant 0 : i32
      %get3A_361 = tpu.memref_slice %arg8[%scan3A_232, %get3A_359, %get3A_360] : memref<3x128x128xf32, #tpu.memory_space<vmem>> -> memref<1x128x128xf32, #tpu.memory_space<vmem>>
      %get3A_362 = tpu.memref_squeeze %get3A_361 : memref<1x128x128xf32, #tpu.memory_space<vmem>> -> memref<128x128xf32, #tpu.memory_space<vmem>>
      %get3A_363 = arith.index_cast %scan3A_252 : i32 to index
      %get3A_364 = arith.constant 96 : index
      %get3A_365 = tpu.vector_load %get3A_362[%get3A_363, %get3A_364] {strides = array<i32>} : memref<128x128xf32, #tpu.memory_space<vmem>>, vector<1x16xf32>,
      %get3A_366 = vector.shape_cast %get3A_365 : vector<1x16xf32> to vector<16xf32>
      %sub3A_367 = arith.subf %get3A_358, %bitcast_convert_type3A_346 : vector<16xf32>
      %sub3A_368 = arith.subf %get3A_366, %bitcast_convert_type3A_350 : vector<16xf32>
      %mul3A_369 = arith.mulf %sub3A_367, %sub3A_367 : vector<16xf32>
      %add3A_370 = arith.addf %scan3A_257, %mul3A_369 : vector<16xf32>
      %mul3A_371 = arith.mulf %sub3A_368, %sub3A_368 : vector<16xf32>
      %add3A_372 = arith.addf %scan3A_258, %mul3A_371 : vector<16xf32>
      %get3A_373 = arith.constant 0 : i32
      %get3A_374 = arith.constant 0 : i32
      %get3A_375 = tpu.memref_slice %arg7[%scan3A_231, %get3A_373, %get3A_374] : memref<2x128x128xf32, #tpu.memory_space<vmem>> -> memref<1x128x128xf32, #tpu.memory_space<vmem>>
      %get3A_376 = tpu.memref_squeeze %get3A_375 : memref<1x128x128xf32, #tpu.memory_space<vmem>> -> memref<128x128xf32, #tpu.memory_space<vmem>>
      %get3A_377 = arith.index_cast %scan3A_252 : i32 to index
      %get3A_378 = arith.constant 48 : index
      %get3A_379 = tpu.vector_load %get3A_376[%get3A_377, %get3A_378] {strides = array<i32>} : memref<128x128xf32, #tpu.memory_space<vmem>>, vector<1x16xf32>,
      %get3A_380 = vector.shape_cast %get3A_379 : vector<1x16xf32> to vector<16xf32>
      %bitcast_convert_type3A_381 = tpu.bitcast %get3A_380 : vector<16xf32> -> vector<16xi32>
      %shift_left3A_382 = arith.constant 16 : i32
      %shift_left3A_383 = vector.broadcast %shift_left3A_382 : i32 to vector<16xi32>
      %shift_left3A_384 = arith.shli %bitcast_convert_type3A_381, %shift_left3A_383 : vector<16xi32>
      %bitcast_convert_type3A_385 = tpu.bitcast %shift_left3A_384 : vector<16xi32> -> vector<16xf32>
      %and3A_386 = arith.constant -65536 : i32
      %and3A_387 = vector.broadcast %and3A_386 : i32 to vector<16xi32>
      %and3A_388 = arith.andi %bitcast_convert_type3A_381, %and3A_387 : vector<16xi32>
      %bitcast_convert_type3A_389 = tpu.bitcast %and3A_388 : vector<16xi32> -> vector<16xf32>
      %get3A_390 = arith.constant 0 : i32
      %get3A_391 = arith.constant 0 : i32
      %get3A_392 = tpu.memref_slice %arg8[%scan3A_232, %get3A_390, %get3A_391] : memref<3x128x128xf32, #tpu.memory_space<vmem>> -> memref<1x128x128xf32, #tpu.memory_space<vmem>>
      %get3A_393 = tpu.memref_squeeze %get3A_392 : memref<1x128x128xf32, #tpu.memory_space<vmem>> -> memref<128x128xf32, #tpu.memory_space<vmem>>
      %get3A_394 = arith.index_cast %scan3A_252 : i32 to index
      %get3A_395 = arith.constant 48 : index
      %get3A_396 = tpu.vector_load %get3A_393[%get3A_394, %get3A_395] {strides = array<i32>} : memref<128x128xf32, #tpu.memory_space<vmem>>, vector<1x16xf32>,
      %get3A_397 = vector.shape_cast %get3A_396 : vector<1x16xf32> to vector<16xf32>
      %get3A_398 = arith.constant 0 : i32
      %get3A_399 = arith.constant 0 : i32
      %get3A_400 = tpu.memref_slice %arg8[%scan3A_232, %get3A_398, %get3A_399] : memref<3x128x128xf32, #tpu.memory_space<vmem>> -> memref<1x128x128xf32, #tpu.memory_space<vmem>>
      %get3A_401 = tpu.memref_squeeze %get3A_400 : memref<1x128x128xf32, #tpu.memory_space<vmem>> -> memref<128x128xf32, #tpu.memory_space<vmem>>
      %get3A_402 = arith.index_cast %scan3A_252 : i32 to index
      %get3A_403 = arith.constant 112 : index
      %get3A_404 = tpu.vector_load %get3A_401[%get3A_402, %get3A_403] {strides = array<i32>} : memref<128x128xf32, #tpu.memory_space<vmem>>, vector<1x16xf32>,
      %get3A_405 = vector.shape_cast %get3A_404 : vector<1x16xf32> to vector<16xf32>
      %sub3A_406 = arith.subf %get3A_397, %bitcast_convert_type3A_385 : vector<16xf32>
      %sub3A_407 = arith.subf %get3A_405, %bitcast_convert_type3A_389 : vector<16xf32>
      %mul3A_408 = arith.mulf %sub3A_406, %sub3A_406 : vector<16xf32>
      %add3A_409 = arith.addf %scan3A_259, %mul3A_408 : vector<16xf32>
      %mul3A_410 = arith.mulf %sub3A_407, %sub3A_407 : vector<16xf32>
      %add3A_411 = arith.addf %scan3A_260, %mul3A_410 : vector<16xf32>
      scf.yield %add3A_292, %add3A_294, %add3A_331, %add3A_333, %add3A_370, %add3A_372, %add3A_409, %add3A_411 : vector<16xf32>, vector<16xf32>, vector<16xf32>, vector<16xf32>, vector<16xf32>, vector<16xf32>, vector<16xf32>, vector<16xf32>
    }
    %scan3A_238 = arith.constant 128 : i32
    %add3A_239 = arith.addf %scan3A_237#0, %scan3A_237#1 : vector<16xf32>
    %add3A_240 = arith.addf %add3A_239, %scan3A_237#2 : vector<16xf32>
    %add3A_241 = arith.addf %add3A_240, %scan3A_237#3 : vector<16xf32>
    %add3A_242 = arith.addf %add3A_241, %scan3A_237#4 : vector<16xf32>
    %add3A_243 = arith.addf %add3A_242, %scan3A_237#5 : vector<16xf32>
    %add3A_244 = arith.addf %add3A_243, %scan3A_237#6 : vector<16xf32>
    %add3A_245 = arith.addf %add3A_244, %scan3A_237#7 : vector<16xf32>
    %mul3A_246 = arith.constant 5.000000e-01 : f32
    %mul3A_247 = vector.broadcast %mul3A_246 : f32 to vector<16xf32>
    %mul3A_248 = arith.mulf %add3A_245, %mul3A_247 : vector<16xf32>
    %swap3A = arith.constant 0 : index
    %swap3A_249 = tpu.vector_load %arg9[%swap3A] {strides = array<i32>} : memref<16xf32, #tpu.memory_space<vmem>>, vector<16xf32>,
    %swap3A_250 = vector.shape_cast %swap3A_249 : vector<16xf32> to vector<16xf32>
    %swap3A_251 = vector.shape_cast %mul3A_248 : vector<16xf32> to vector<16xf32>
    tpu.vector_store %arg9[%swap3A], %swap3A_251 {strides = array<i32>} : memref<16xf32, #tpu.memory_space<vmem>>, vector<16xf32>,
    "tpu.region"() ({
      %run_scoped3A = tpu.sem_alloc : memref<!tpu.dma_semaphore, #tpu.memory_space<semaphore_mem>>
      %dma_start3A_252 = arith.constant 0 : i32
      %dma_start3A_253 = tpu.memref_slice %arg5[%add3A, %dma_start3A_252] : memref<32x16xf32, #tpu.memory_space<hbm>> -> memref<1x16xf32, #tpu.memory_space<hbm>>
      %dma_start3A_254 = tpu.memref_squeeze %dma_start3A_253 : memref<1x16xf32, #tpu.memory_space<hbm>> -> memref<16xf32, #tpu.memory_space<hbm>>
      %dma_start3A_255 = arith.constant 0 : i32
      %dma_start3A_256 = tpu.memref_slice %arg5[%add3A, %dma_start3A_255] : memref<32x16xf32, #tpu.memory_space<hbm>> -> memref<1x16xf32, #tpu.memory_space<hbm>>
      %dma_start3A_257 = tpu.memref_squeeze %dma_start3A_256 : memref<1x16xf32, #tpu.memory_space<hbm>> -> memref<16xf32, #tpu.memory_space<hbm>>
      tpu.enqueue_dma source(%arg9 : memref<16xf32, #tpu.memory_space<vmem>>) target(%dma_start3A_257 : memref<16xf32, #tpu.memory_space<hbm>>) target_semaphore(%run_scoped3A : memref<!tpu.dma_semaphore, #tpu.memory_space<semaphore_mem>>)
      %dma_wait3A_258 = arith.constant 0 : i32
      %dma_wait3A_259 = tpu.memref_slice %arg5[%add3A, %dma_wait3A_258] : memref<32x16xf32, #tpu.memory_space<hbm>> -> memref<1x16xf32, #tpu.memory_space<hbm>>
      %dma_wait3A_260 = tpu.memref_squeeze %dma_wait3A_259 : memref<1x16xf32, #tpu.memory_space<hbm>> -> memref<16xf32, #tpu.memory_space<hbm>>
      %dma_wait3A_261 = arith.constant 0 : i32
      %dma_wait3A_262 = tpu.memref_slice %arg5[%add3A, %dma_wait3A_261] : memref<32x16xf32, #tpu.memory_space<hbm>> -> memref<1x16xf32, #tpu.memory_space<hbm>>
      %dma_wait3A_263 = tpu.memref_squeeze %dma_wait3A_262 : memref<1x16xf32, #tpu.memory_space<hbm>> -> memref<16xf32, #tpu.memory_space<hbm>>
      tpu.wait_dma2 semaphore(%run_scoped3A : memref<!tpu.dma_semaphore, #tpu.memory_space<semaphore_mem>>) src(%arg9 : memref<16xf32, #tpu.memory_space<vmem>>) dst(%dma_wait3A_263 : memref<16xf32, #tpu.memory_space<hbm>>)
      tpu.yield
    }) : () -> ()
    return
  }
}

module attributes {stable_mosaic.version = 14 : i64} {
  func.func @_tc_body(%arg0: i32, %arg1: memref<1x1x1024xi32, #tpu.memory_space<vmem>>, %arg2: memref<1024x128xf32, #tpu.memory_space<vmem>>, %arg3: memref<1024x128xbf16, #tpu.memory_space<vmem>>, %arg4: memref<1x128xf32, #tpu.memory_space<vmem>>) attributes {dimension_semantics = [#tpu.dimension_semantics<arbitrary>], iteration_bounds = array<i64: 4>, scalar_prefetch = 0 : i64, scratch_operands = 0 : i64, tpu.core_type = #tpu.core_type<tc>, window_params = [{transform_indices = @transform_0, window_bounds = array<i64: 1, 1, 1024>}, {transform_indices = @transform_1, window_bounds = array<i64: 1024, 128>}, {pipeline_mode = #tpu.pipeline_mode<synchronous>, transform_indices = @transform_2, window_bounds = array<i64: 1024, 128>}, {pipeline_mode = #tpu.pipeline_mode<synchronous>, transform_indices = @transform_3, window_bounds = array<i64: 1, 128>}]} {
    %get3A = arith.constant 0 : index
    %get3A_0 = arith.constant 0 : index
    %get3A_1 = arith.constant 0 : index
    %get3A_2 = vector.load %arg1[%get3A, %get3A_0, %get3A_1] : memref<1x1x1024xi32, #tpu.memory_space<vmem>>, vector<1x1x1024xi32>
    %get3A_3 = vector.shape_cast %get3A_2 : vector<1x1x1024xi32> to vector<1x1024xi32>
    %broadcast_in_dim3A = vector.shape_cast %get3A_3 : vector<1x1024xi32> to vector<1x1024xi32>
    %broadcast_in_dim3A_4 = vector.broadcast %broadcast_in_dim3A : vector<1x1024xi32> to vector<1024x1024xi32>
    %iota3A = tpu.iota {dimensions = array<i32: 0>} : vector<1024x1024xi32>
    %eq3A = arith.cmpi eq, %broadcast_in_dim3A_4, %iota3A : vector<1024x1024xi32>
    %jit3A = arith.constant 1.000000e+00 : f32
    %jit3A_5 = arith.constant 0.000000e+00 : f32
    %broadcast_in_dim3A_6 = vector.broadcast %jit3A : f32 to vector<1024x1024xf32>
    %broadcast_in_dim3A_7 = vector.broadcast %jit3A_5 : f32 to vector<1024x1024xf32>
    %select_n3A = arith.select %eq3A, %broadcast_in_dim3A_6, %broadcast_in_dim3A_7 : vector<1024x1024xi1>, vector<1024x1024xf32>
    %convert_element_type3A = arith.truncf %select_n3A : vector<1024x1024xf32> to vector<1024x1024xbf16>
    %get3A_8 = arith.constant 0 : index
    %get3A_9 = arith.constant 0 : index
    %get3A_10 = vector.load %arg3[%get3A_8, %get3A_9] : memref<1024x128xbf16, #tpu.memory_space<vmem>>, vector<1024x128xbf16>
    %dot_general3A = arith.constant dense<0.000000e+00> : vector<1024x128xf32>
    %dot_general3A_11 = tpu.matmul %convert_element_type3A, %get3A_10, %dot_general3A {dimension_numbers = #tpu.dot_dimension_numbers<[0], [0], [1], [1], [0, 1, 1, 1], [], []>, transpose_lhs_hint = false} : vector<1024x1024xbf16>, vector<1024x128xbf16>, vector<1024x128xf32> -> vector<1024x128xf32>
    %get3A_12 = arith.constant 0 : index
    %get3A_13 = arith.constant 0 : index
    %get3A_14 = vector.load %arg2[%get3A_12, %get3A_13] : memref<1024x128xf32, #tpu.memory_space<vmem>>, vector<1024x128xf32>
    %sub3A = arith.subf %get3A_14, %dot_general3A_11 : vector<1024x128xf32>
    %mul3A = arith.mulf %sub3A, %sub3A : vector<1024x128xf32>
    %reduce_sum3A = arith.constant dense<0.000000e+00> : vector<128xf32>
    %reduce_sum3A_15 = vector.multi_reduction <add>, %mul3A, %reduce_sum3A [0] : vector<1024x128xf32> to vector<128xf32>
    %broadcast_in_dim3A_16 = vector.shape_cast %reduce_sum3A_15 : vector<128xf32> to vector<1x128xf32>
    %eq3A_17 = arith.constant 0 : i32
    %eq3A_18 = arith.cmpi eq, %arg0, %eq3A_17 : i32
    %convert_element_type3A_19 = arith.extui %eq3A_18 : i1 to i32
    %cond3A = arith.constant 0 : i32
    %cond3A_20 = arith.cmpi ne, %convert_element_type3A_19, %cond3A : i32
    scf.if %cond3A_20 {
      %broadcast_in_dim3A_26 = arith.constant 0.000000e+00 : f32
      %broadcast_in_dim3A_27 = vector.broadcast %broadcast_in_dim3A_26 : f32 to vector<1x128xf32>
      %swap3A_28 = arith.constant 0 : index
      %swap3A_29 = arith.constant 0 : index
      %swap3A_30 = vector.load %arg4[%swap3A_28, %swap3A_29] : memref<1x128xf32, #tpu.memory_space<vmem>>, vector<1x128xf32>
      tpu.vector_store %arg4[%swap3A_28, %swap3A_29], %broadcast_in_dim3A_27 {strides = array<i32>} : memref<1x128xf32, #tpu.memory_space<vmem>>, vector<1x128xf32>,
    } else {
    }
    %get3A_21 = arith.constant 0 : index
    %get3A_22 = arith.constant 0 : index
    %get3A_23 = vector.load %arg4[%get3A_21, %get3A_22] : memref<1x128xf32, #tpu.memory_space<vmem>>, vector<1x128xf32>
    %add3A = arith.addf %get3A_23, %broadcast_in_dim3A_16 : vector<1x128xf32>
    %swap3A = arith.constant 0 : index
    %swap3A_24 = arith.constant 0 : index
    %swap3A_25 = vector.load %arg4[%swap3A, %swap3A_24] : memref<1x128xf32, #tpu.memory_space<vmem>>, vector<1x128xf32>
    tpu.vector_store %arg4[%swap3A, %swap3A_24], %add3A {strides = array<i32>} : memref<1x128xf32, #tpu.memory_space<vmem>>, vector<1x128xf32>,
    return
  }
  func.func @transform_0(%arg0: i32) -> (i32, i32, i32) {
    %c0_i32 = arith.constant 0 : i32
    %c0_i32_0 = arith.constant 0 : i32
    %c0_i32_1 = arith.constant 0 : i32
    return %arg0, %c0_i32, %c0_i32_0 : i32, i32, i32
  }
  func.func @transform_1(%arg0: i32) -> (i32, i32) {
    %c0_i32 = arith.constant 0 : i32
    %c0_i32_0 = arith.constant 0 : i32
    return %arg0, %c0_i32 : i32, i32
  }
  func.func @transform_2(%arg0: i32) -> (i32, i32) {
    %c0_i32 = arith.constant 0 : i32
    %c0_i32_0 = arith.constant 0 : i32
    %c0_i32_1 = arith.constant 0 : i32
    return %c0_i32, %c0_i32_0 : i32, i32
  }
  func.func @transform_3(%arg0: i32) -> (i32, i32) {
    %c0_i32 = arith.constant 0 : i32
    %c0_i32_0 = arith.constant 0 : i32
    %c0_i32_1 = arith.constant 0 : i32
    return %c0_i32, %c0_i32_0 : i32, i32
  }
}

</mosaic_0001>

<sc_bundles>
// kernel: kernel.4.cloned.1.call-start
scs
__scs_entry_jumppad:
0x0: {  	(pc) =	sbr.rel $0x88, $3  }
0x1: {  	(tag) =	ssettag $0x0;
	lr =	simm.s32 $0x1  }
0x2: {  	[smem:$0x3F9E] =	sst lr;
	_ =	strace $0xD0000000  }
0x3: {  	_ = 	snop  }
0x4: {  	_ = 	snop  }
0x5: {  	_ = 	snop  }
0x6: {  	_ = 	snop  }
0x7: {  	_ = 	snop  }
__scs_overlays_trampoline_lowered:
0x8: {  	[smem:$0x3FAD] =	sst s0  }
0x9: {  	[smem:$0x3FAE] =	sst s1  }
0xa: {  	[smem:$0x3FAF] =	sst s2  }
0xb: {  	[smem:$0x3FB0] =	sst s3  }
0xc: {  	[smem:$0x3FB1] =	sst s4  }
0xd: {  	[smem:$0x3FB2] =	sst s5  }
0xe: {  	[smem:$0x3FB3] =	sst s6  }
0xf: {  	[smem:$0x3FB4] =	sst s7  }
0x10: {  	[smem:$0x3FB5] =	sst s8  }
0x11: {  	[smem:$0x3FB6] =	sst s9;
	s0 =	simm.s32 @!p0 $0x0  }
0x12: {  	s1 =	sld [smem:$0x3F9C];
	s0 =	simm.s32 @p0 $0x1  }
0x13: {  	[smem:$0x3FB7] =	sst s0;
	s0 =	simm.s32 @!p1 $0x0  }
0x14: {  	s2 =	sld [smem:$0x3F9B];
	s0 =	simm.s32 @p1 $0x1  }
0x15: {  	[smem:$0x3FB8] =	sst s0;
	s0 =	simm.s32 @!p2 $0x0  }
0x16: {  	s3 =	sld [smem:$0x3FDB];
	s0 =	simm.s32 @p2 $0x1  }
0x17: {  	s4 =	simm.s32 $0x1BF5;
	[smem:$0x3FBA] =	sst s0  }
0x18: {  	s0 =	sld [smem:$0x3F9D];
	_ =	swait.ge [sflag:s4], $0x0  }
0x19: {  	s7 =	sld [smem:$0x3F9E]  }
0x1a: {  	s8 =	sadd.s32 $0xFFFFE003, lr  }
0x1b: {  	s9 =	sadd.s32 $0xFFFFFEF7, lr;
	s5 =	simm.s32 $0xFFFFFFFF;
	p2 =	slt.u32 s8, $0xFFFFF086  }
0x1c: {  	p1 =	slt.u32 s9, $0xF7A;
	s5 =	simm.s32 @!p2 $0x0  }
0x1d: {  	s5 =	simm.s32 @p1 $0x1;
	p0 =	seq.s32 s7, s2  }
0x1e: {  	s7 =	smul.u32 @!p0 $0xF7A, s2;
	p2 =	seq.s32 @!p0 s5, $0x0  }
0x1f: {  	s9 =	smul.u32 $0xF7A, s1;
	s8 =	simm.s32 @!p0 $0x1BF5;
	p2 =	por !p2, p0  }
0x20: {  	[sflag:s8] =	ssyncset.s32 @!p0 $0xFFFFF086;
	s6 =	sadd.s32 @!p0 s3, s7;
	s7 =	simm.s32 @!p0 $0x108  }
0x21: {  	s3 =	sadd.s32 s3, s9;
	s6 =	sadd.s32 @!p0 $0x88, s6;
	s7 =	simm.s32 @p2 $0x1082  }
0x22: {  	[simem:s7], [sflag:s8] =	dma.local @!p0 [hbm:s6], $0xF7A  }
0x23: {  	s9 =	sor.u32 $0xD0000000, s2;
	s6 =	simm.s32 $0x108;
	_ =	swait.ge @!p0 [sflag:s8], $0x0  }
0x24: {  	s3 =	sadd.s32 $0x88, s3;
	s6 =	simm.s32 @!p1 $0x1082;
	[sflag:s4] =	ssyncset.s32 $0xFFFFF086  }
0x25: {  	[simem:s6], [sflag:s4] =	dma.local [hbm:s3], $0xF7A  }
0x26: {  	[smem:$0x3F9E] =	sst s1;
	(tag) =	ssettag s2;
	_ =	strace s9  }
0x27: {  	s1 =	sld [smem:$0x3FAE]  }
0x28: {  	s2 =	sld [smem:$0x3FAF]  }
0x29: {  	s4 =	sld [smem:$0x3FB1]  }
0x2a: {  	p0 =	seq.s32 s5, $0x0;
	s5 =	sld [smem:$0x3FB2]  }
0x2b: {  	s6 =	sld [smem:$0x3FB3]  }
0x2c: {  	s7 =	sld [smem:$0x3FB4]  }
0x2d: {  	s3 =	simm.s32 $0x108;
	s8 =	sld [smem:$0x3FB5]  }
0x2e: {  	s3 =	simm.s32 @!p0 $0x1082;
	s9 =	sld [smem:$0x3FB6]  }
0x2f: {  	lr =	sadd.s32 s0, s3;
	s0 =	sld [smem:$0x3FAD]  }
0x30: {  	s3 =	sld [smem:$0x3FB0]  }
0x31: {  	[smem:$0x3FB9] =	sst s10  }
0x32: {  	s10 =	sld [smem:$0x3FB7];
	_ =	sdelay $0x3  }
0x33: {  	p0 =	seq.s32 s10, $0x1;
	s10 =	sld [smem:$0x3FB9];
	_ =	sdelay $0x3  }
0x34: {  	[smem:$0x3FB9] =	sst s10  }
0x35: {  	s10 =	sld [smem:$0x3FB8];
	_ =	sdelay $0x3  }
0x36: {  	p1 =	seq.s32 s10, $0x1;
	s10 =	sld [smem:$0x3FB9];
	_ =	sdelay $0x3  }
0x37: {  	[smem:$0x3FB9] =	sst s10  }
0x38: {  	s10 =	sld [smem:$0x3FBA]  }
0x39: {  	_ = 	snop;
	(pc) =	sbr.ind lr, $3  }
0x3a: {  	_ = 	snop  }
0x3b: {  	_ = 	snop  }
0x3c: {  	p2 =	seq.s32 s10, $0x1;
	s10 =	sld [smem:$0x3FB9]  }
0x3d: {  	_ =	shalt  }
0x3e: {  	_ =	shalt  }
0x3f: {  	_ =	shalt  }
0x40: {  	_ =	shalt  }
0x41: {  	_ =	shalt  }
0x42: {  	_ =	shalt  }
0x43: {  	_ =	shalt  }
0x44: {  	_ =	shalt  }
0x45: {  	_ =	shalt  }
0x46: {  	_ =	shalt  }
0x47: {  	_ =	shalt  }
0x48: {  	_ =	shalt  }
0x49: {  	_ =	shalt  }
0x4a: {  	_ =	shalt  }
0x4b: {  	_ =	shalt  }
0x4c: {  	_ =	shalt  }
0x4d: {  	_ =	shalt  }
0x4e: {  	_ =	shalt  }
0x4f: {  	_ =	shalt  }
0x50: {  	_ =	shalt  }
0x51: {  	_ =	shalt  }
0x52: {  	_ =	shalt  }
0x53: {  	_ =	shalt  }
0x54: {  	_ =	shalt  }
0x55: {  	_ =	shalt  }
0x56: {  	_ =	shalt  }
0x57: {  	_ =	shalt  }
0x58: {  	_ =	shalt  }
0x59: {  	_ =	shalt  }
0x5a: {  	_ =	shalt  }
0x5b: {  	_ =	shalt  }
0x5c: {  	_ =	shalt  }
0x5d: {  	_ =	shalt  }
0x5e: {  	_ =	shalt  }
0x5f: {  	_ =	shalt  }
0x60: {  	_ =	shalt  }
0x61: {  	_ =	shalt  }
0x62: {  	_ =	shalt  }
0x63: {  	_ =	shalt  }
0x64: {  	_ =	shalt  }
0x65: {  	_ =	shalt  }
0x66: {  	_ =	shalt  }
0x67: {  	_ =	shalt  }
0x68: {  	_ =	shalt  }
0x69: {  	_ =	shalt  }
0x6a: {  	_ =	shalt  }
0x6b: {  	_ =	shalt  }
0x6c: {  	_ =	shalt  }
0x6d: {  	_ =	shalt  }
0x6e: {  	_ =	shalt  }
0x6f: {  	_ =	shalt  }
0x70: {  	_ =	shalt  }
0x71: {  	_ =	shalt  }
0x72: {  	_ =	shalt  }
0x73: {  	_ =	shalt  }
0x74: {  	_ =	shalt  }
0x75: {  	_ =	shalt  }
0x76: {  	_ =	shalt  }
0x77: {  	_ =	shalt  }
0x78: {  	_ =	shalt  }
0x79: {  	_ =	shalt  }
0x7a: {  	_ =	shalt  }
0x7b: {  	_ =	shalt  }
0x7c: {  	_ =	shalt  }
0x7d: {  	_ =	shalt  }
0x7e: {  	_ =	shalt  }
0x7f: {  	_ =	shalt  }
0x80: {  	_ =	shalt  }
0x81: {  	_ =	shalt  }
0x82: {  	_ =	shalt  }
0x83: {  	_ =	shalt  }
0x84: {  	_ =	shalt  }
0x85: {  	_ =	shalt  }
0x86: {  	_ =	shalt  }
0x87: {  	_ =	shalt  }
.Lfunc_end0:
.L_simem_size_0:
called_computation_lowered:
.L_overlay_start_0:
0x88: {  	s2 =	sld [smem:$0x3FD9]  }
0x89: {  	s3 =	sld [smem:$0x3FFE];
	_ =	sdelay $0x1  }
0x8a: {  	s1 =	srdreg.scid  }
0x8b: {  	s0 =	sand.u32 $0x1, s1  }
0x8c: {  	s17 =	sshll.u32 s0, $0xA;
	s2 =	sadd.s32 s3, s2  }
0x8d: {  	s2 =	sadd.s32 s2, s17  }
0x8e: {  	[smem:$0x3FC5] =	sst s2  }
0x8f: {  	_ = 	snop  }
0x90: {  	s2 =	sld [smem:$0x3FC9]  }
0x91: {  	s18 =	sld [smem:$0x3FC8];
	(tm) =	ssettm $0x1  }
0x92: {  	s4 =	sld [smem:$0x3FFB];
	_ =	sdelay $0x3  }
0x93: {  	_ =	strace s4  }
0x94: {  	s4 =	sld [smem:$0x3FFC];
	_ =	sdelay $0x3  }
0x95: {  	_ =	strace s4  }
0x96: {  	s4 =	sld [smem:$0x3FFD];
	_ =	sdelay $0x3  }
0x97: {  	_ =	strace s4  }
0x98: {  	_ =	strace $0x8FFFFFFF  }
0x99: {  	s19 =	sld [smem:$0x3FDB];
	_ =	sdelay $0x1  }
0x9a: {  	s5 =	simm.s32 $_scs_section_size  }
0x9b: {  	s6 =	simm.s32 $_size__tile_overlayer_lowered;
	s7 =	simm.s32 $_tile_overlayer_lowered  }
0x9c: {  	s22 =	simm.s32 $0x1BFF;
	s21 =	sshll.u32 s7, $0x1;
	s4 =	sadd.s32 s5, s19  }
0x9d: {  	s8 =	simm.s32 $0x0;
	s20 =	sshll.u32 s6, $0x1;
	s6 =	sadd.s32 s21, s4  }
0x9e: {  	[timem:s8], [sflag:s22] =	dma.local [hbm:s6], s20  }
0x9f: {  	_ =	swait.ge [sflag:s22], s20  }
0xa0: {  	s5 =	ssub.s32 $0x0, s20;
	[sflag:s22] =	ssyncset.done $0x0  }
0xa1: {  	[sflag:s22] =	ssyncadd.s32 s5;
	_ =	sdelay $0x1  }
0xa2: {  	s23 =	simm.s32 $0x1B8B  }
0xa3: {  	_ =	swait.ge [sflag:s23], $0x1  }
0xa4: {  	[sflag:s23] =	ssyncset.done $0x0  }
0xa5: {  	s25 =	simm.s32 $0x1B8E;
	s24 =	sld [smem:$0x3FFE];
	[sflag:s23] =	ssyncadd.s32 $0xFFFFFFFF  }
0xa6: {  	s26 =	simm.s32 $execute0_lowered;
	[smem:$0x3FD2] =	sst s25  }
0xa7: {  	s6 =	sshll.u32 s26, $0x1;
	_ =	strace $0x80000046;
	[dreg:$0x1] =	wrdreg $0xFFFFFFFF  }
0xa8: {  	s28 =	simm.s32 $_size_execute0_lowered;
	s4 =	sadd.s32 s4, s6;
	[dreg:$0x0] =	wrdreg $0x0  }
0xa9: {  	s6 =	sshll.u32 s28, $0x1;
	[dreg:$0x2] =	wrdreg s4  }
0xaa: {  	[dreg:$0x3] =	wrdreg s6  }
0xab: {  	[dreg:$0x4] =	wrdreg $0xC0  }
0xac: {  	_ =	task [dreg:s8], $0x5FFFF  }
0xad: {  	[dreg:$0x1] =	wrdreg $0xFFFFFFFF  }
0xae: {  	[dreg:$0x0] =	wrdreg $0x60  }
0xaf: {  	[dreg:$0x2] =	wrdreg s2  }
0xb0: {  	[dreg:$0x3] =	wrdreg s18  }
0xb1: {  	[dreg:$0x4] =	wrdreg s24  }
0xb2: {  	[dreg:$0x5] =	wrdreg $0x9  }
0xb3: {  	_ =	task.clear_ibuf [dreg:s8], $0x6FFFF;
	_ =	strace $0x90000046  }
0xb4: {  	s29 =	simm.s32 $0x9;
	_ =	strace $0x80000048  }
0xb5: {  	_ =	swait.ge [sflag:s29], $0x1  }
0xb6: {  	[sflag:s29] =	ssyncadd.s32 $0xFFFFFFFF  }
0xb7: {  	_ =	strace $0x90000048  }
0xb8: {  	_ =	sfence  }
0xb9: {  	s30 =	sld [smem:$0x0];
	_ =	sdelay $0x2  }
0xba: {  	s31 =	sshll.u32 s1, $0xD;
	s1 =	sshrl.u32 s1, $0x2  }
0xbb: {  	s3 =	sand.u32 $0x4000, s31;
	s1 =	sadd.s32 s1, s30  }
0xbc: {  	s0 =	sor.u32 s3, s0;
	s1 =	sshll.u32 s1, $0x11  }
0xbd: {  	s0 =	sor.u32 s1, s0  }
0xbe: {  	s0 =	sadd.s32 $0x8F2B, s0  }
0xbf: {  	[sflag:s0] =	ssyncadd.remote.s32 $0x1  }
0xc0: {  	_ =	sfence.sel $0xFFFF  }
0xc1: {  	[dreg:$0x0] =	wrdreg $0xFFFFFFFF;
	(pc) =	sbr.abs _section_cstart, $3  }
0xc2: {  	[dreg:$0x1] =	wrdreg $0xFFFFFFFF  }
0xc3: {  	_ =	task.clear_ibuf [dreg:s8], $0x2FFFF;
	_ =	strace $0x9FFFFFFF  }
0xc4: {  	(tm) =	ssettm $0x7FFFFFFF  }
0xc5: {  	_ =	shalt  }
tec
execute0_lowered:
.L_overlay_start_1:
0x0: {  	(tag) =	ssettag $0x1  }
0x1: {  	s5 =	rddreg [dreg:$0x0]  }
0x2: {  	s7 =	rddreg [dreg:$0x1]  }
0x3: {  	s4 =	rddreg [dreg:$0x2]  }
0x4: {  	s0 =	rddreg [dreg:$0x3]  }
0x5: {  	s3 =	srdreg.scid;
	s1 =	stileid.u32;
	s2 =	simm.s32 $0x0  }
0x6: {  	s13 =	simm.s32 $0x6;
	s14 =	simm.s32 $0x80;
	s15 =	simm.s32 $0x180  }
0x7: {  	s16 =	simm.s32 $0x4180;
	s17 =	simm.s32 $0x1;
	s18 =	simm.s32 $0x3  }
0x8: {  	s19 =	simm.s32 $0x100;
	s20 =	simm.s32 $0x2;
	s21 =	simm.s32 $0x4  }
0x9: {  	s22 =	simm.s32 $0x5;
	s6 =	sand.u32 $0x1, s3;
	s28 =	sshll.u32 s1, $0x1  }
0xa: {  	s23 =	simm.s32 $0x14180;
	s24 =	simm.s32 $0x0;
	s8 =	sor.u32 s6, s28  }
0xb: {  	[smem:$0x7FF] =	sst s2;
	s3 =	sadd.s32 $0x600, s4;
	s9 =	smul.u32 $0x180, s8  }
0xc: {  	s29 =	ssub.s32 $0x2, s6;
	s10 =	sshll.u32 s8, $0x4;
	s8 =	smul.u32 $0xC000, s8  }
0xd: {  	_ =	strace $0x80000047;
	s6 =	sshrl.u32 s29, $0x1;
	s10 =	sadd.s32 s10, s4  }
0xe: {  	s12 =	ssub.s32 s29, s6;
	s9 =	sadd.s32 $0x1000, s9;
	s8 =	sshrl.u32 s8, $0x3  }
0xf: {  	s11 =	sshll.u32 s9, $0x4;
	s30 =	sadd.s32 s5, s8;
	s31 =	sshrl.u32 s9, $0x3  }
0x10: {  	s8 =	sadd.s32 $0x4600, s10;
	s9 =	smax.u32 s12, $0x1;
	s10 =	simm.s32 $0x8180  }
0x11: {  	s12 =	simm.s32 $0x10180;
	s4 =	sadd.s32 s5, s11;
	s5 =	sadd.s32 $0x10800, s30  }
0x12: {  	s6 =	sadd.s32 $0x11000, s30;
	s7 =	sadd.s32 s7, s31;
	s11 =	simm.s32 $0xC180  }
.LBB2_1:
0x13: {  	[tilespmem:s10], [sflag:$0x3] =	stream.linear.gather [hbm4b:s4+s2], $0x4000, $0x38;
	[tilespmem:$0x14200] =	vst v63  }
0x14: {  	_ = 	snop  }
0x15: {  	[tilespmem:s11], [sflag:$0x4] =	stream.linear.gather [hbm4b:s5+s2], $0x4000, $0x38;
	[tilespmem:$0x14200] =	vst v63  }
0x16: {  	_ = 	snop  }
0x17: {  	[tilespmem:s12], [sflag:$0x5] =	stream.linear.gather [hbm4b:s6+s2], $0x4000, $0x38;
	[tilespmem:$0x14200] =	vst v63  }
0x18: {  	_ = 	snop  }
0x19: {  	[tilespmem:s2], [sflag:$0x6] =	stream.linear.gather [hbm4b:s7+s2], $0x180, $0x38;
	[tilespmem:$0x14200] =	vst v63  }
0x1a: {  	_ =	swait.ge [sflag:s13], $0x180  }
0x1b: {  	[sflag:s13] =	ssyncset.done $0x0  }
0x1c: {  	[sflag:s13] =	ssyncadd.s32 $0xFFFFFE80  }
0x1d: {  	[tilespmem:s15], [sflag:$0x1] =	stream.indirect.gather [hbm4b:s3+s14], $0x80, s2, s14, $0xb8;
	[tilespmem:$0x14200] =	vst v63  }
0x1e: {  	_ = 	snop  }
0x1f: {  	[tilespmem:s16], [sflag:$0x2] =	stream.indirect.gather [hbm4b:s3+s14], $0x80, s14, s14, $0xb8;
	[tilespmem:$0x14200] =	vst v63  }
0x20: {  	_ =	swait.ge [sflag:s17], $0x4000  }
0x21: {  	[sflag:s17] =	ssyncset.done $0x0  }
0x22: {  	[sflag:s17] =	ssyncadd.s32 $0xFFFFC000  }
0x23: {  	_ =	swait.ge [sflag:s18], $0x4000  }
0x24: {  	[sflag:s18] =	ssyncset.done $0x0  }
0x25: {  	s28 =	simm.s32 $0x0;
	[sflag:s18] =	ssyncadd.s32 $0xFFFFC000  }
0x26: {  	v0 =	vld [tilespmem:s28+$0x1B0]  }
0x27: {  	v5 =	vld [tilespmem:s28+$0x190]  }
0x28: {  	v6 =	vld [tilespmem:s28+$0x1A0]  }
0x29: {  	v1 =	vld [tilespmem:s28+$0x81F0]  }
0x2a: {  	v3 =	vld [tilespmem:s28+$0x180]  }
0x2b: {  	v7 =	vld [tilespmem:s28+$0x8180]  }
0x2c: {  	v4 =	vimm.f32 $0.0e+00;
	v8 =	vld [tilespmem:s28+$0x81C0];
	v2 =	vand.u32 $0xFFFF0000, v0  }
0x2d: {  	v17 =	vshll.u32 v5, $0x10;
	v11 =	vand.u32 $0xFFFF0000, v5;
	v10 =	vshll.u32 v6, $0x10  }
0x2e: {  	v12 =	vld [tilespmem:s28+$0x8190];
	v9 =	vand.u32 $0xFFFF0000, v6;
	v6 =	vimm.f32 $0.0e+00;
	v1 =	vsub.f32 v1, v2  }
0x2f: {  	v15 =	vld [tilespmem:s28+$0x81D0];
	v5 =	vimm.f32 $0.0e+00;
	v2 =	vshll.u32 v0, $0x10;
	v0 =	vshll.u32 v3, $0x10  }
0x30: {  	v16 =	vld [tilespmem:s28+$0x81A0];
	v3 =	vand.u32 $0xFFFF0000, v3;
	v18 =	vsub.f32 v7, v0;
	v1 =	vmul.f32 v1, v1  }
0x31: {  	v13 =	vld [tilespmem:s28+$0x81E0];
	v19 =	vsub.f32 v8, v3;
	v8 =	vimm.f32 $0.0e+00;
	v7 =	vimm.f32 $0.0e+00  }
0x32: {  	s25 =	simm.s32 $0x80;
	s26 =	simm.s32 $0x400;
	v14 =	vld [tilespmem:s28+$0x81B0];
	v3 =	vimm.f32 $0.0e+00;
	v0 =	vadd.f32 v1, v4;
	v1 =	vimm.f32 $0.0e+00  }
.LBB2_2:
0x33: {  	p0 =	sne.s32 s26, $0xFE00;
	v20 =	vld [tilespmem:s25+$0x1B0];
	v18 =	vmul.f32 v18, v18;
	v12 =	vsub.f32 v12, v17  }
0x34: {  	v17 =	vld [tilespmem:s25+$0x81F0];
	v19 =	vmul.f32 v19, v19;
	v11 =	vsub.f32 v15, v11  }
0x35: {  	v15 =	vld [tilespmem:s25+$0x180];
	v4 =	vadd.f32 v18, v4;
	v12 =	vmul.f32 v12, v12;
	v10 =	vsub.f32 v16, v10  }
0x36: {  	v16 =	vld [tilespmem:s25+$0x190];
	v8 =	vadd.f32 v19, v8;
	v11 =	vmul.f32 v11, v11;
	v9 =	vsub.f32 v13, v9  }
0x37: {  	v13 =	vld [tilespmem:s25+$0x1A0];
	v7 =	vadd.f32 v12, v7;
	v10 =	vmul.f32 v10, v10;
	v12 =	vsub.f32 v14, v2  }
0x38: {  	v14 =	vld [tilespmem:s25+$0x8180];
	v2 =	vshll.u32 v20, $0x10;
	v18 =	vand.u32 $0xFFFF0000, v20;
	v19 =	vmul.f32 v9, v9  }
0x39: {  	v6 =	vadd.f32 v11, v6;
	v20 =	vld [tilespmem:s25+$0x81C0];
	v9 =	vsub.f32 v17, v18;
	v21 =	vmul.f32 v12, v12  }
.Ltmp0:
0x3a: {  	v5 =	vadd.f32 v10, v5;
	v18 =	vshll.u32 v15, $0x10;
	v22 =	vand.u32 $0xFFFF0000, v15;
	v12 =	vld [tilespmem:s25+$0x8190];
	(pc) =	sbr.rel @p0 .LBB2_2-.Ltmp0, $4  }
0x3b: {  	v17 =	vshll.u32 v16, $0x10;
	v11 =	vand.u32 $0xFFFF0000, v16;
	v15 =	vld [tilespmem:s25+$0x81D0];
	v23 =	vmul.f32 v9, v9  }
0x3c: {  	v3 =	vadd.f32 v19, v3;
	v10 =	vshll.u32 v13, $0x10;
	v9 =	vand.u32 $0xFFFF0000, v13;
	v16 =	vld [tilespmem:s25+$0x81A0]  }
0x3d: {  	v18 =	vsub.f32 v14, v18;
	v13 =	vld [tilespmem:s25+$0x81E0];
	v0 =	vadd.f32 v23, v0  }
0x3e: {  	v1 =	vadd.f32 v21, v1;
	v19 =	vsub.f32 v20, v22;
	v14 =	vld [tilespmem:s25+$0x81B0];
	s25 =	sshra.s32 s26, $0x2;
	s26 =	sadd.s32 $0x200, s26  }
0x3f: {  	v20 =	vld [tilespmem:s25+$0x1B0]  }
0x40: {  	v21 =	vld [tilespmem:s25+$0x81F0]  }
0x41: {  	v22 =	vld [tilespmem:s25+$0x180]  }
0x42: {  	v23 =	vld [tilespmem:s25+$0x190]  }
0x43: {  	v24 =	vld [tilespmem:s25+$0x1A0]  }
0x44: {  	v25 =	vld [tilespmem:s25+$0x8180]  }
0x45: {  	v26 =	vld [tilespmem:s25+$0x81C0]  }
0x46: {  	v27 =	vld [tilespmem:s25+$0x8190];
	v18 =	vmul.f32 v18, v18;
	v12 =	vsub.f32 v12, v17  }
0x47: {  	v17 =	vld [tilespmem:s25+$0x81D0];
	v19 =	vmul.f32 v19, v19  }
0x48: {  	v28 =	vld [tilespmem:s25+$0x81A0];
	v11 =	vsub.f32 v15, v11;
	v4 =	vadd.f32 v18, v4;
	v12 =	vmul.f32 v12, v12  }
0x49: {  	v15 =	vld [tilespmem:s25+$0x81E0];
	v10 =	vsub.f32 v16, v10;
	v8 =	vadd.f32 v19, v8  }
0x4a: {  	v16 =	vld [tilespmem:s25+$0x81B0];
	[tilespmem:s15], [sflag:$0x1] =	stream.indirect.gather [hbm4b:s3+s14], $0x80, s19, s14, $0xb8;
	v9 =	vsub.f32 v13, v9;
	v11 =	vmul.f32 v11, v11;
	v7 =	vadd.f32 v12, v7  }
0x4b: {  	_ =	swait.ge [sflag:s20], $0x4000;
	v10 =	vmul.f32 v10, v10;
	v2 =	vsub.f32 v14, v2;
	v12 =	vand.u32 $0xFFFF0000, v20  }
0x4c: {  	[sflag:s20] =	ssyncset.done $0x0;
	v11 =	vadd.f32 v11, v6;
	v6 =	vshll.u32 v20, $0x10;
	v12 =	vsub.f32 v21, v12  }
0x4d: {  	v9 =	vmul.f32 v9, v9;
	[sflag:s20] =	ssyncadd.s32 $0xFFFFC000;
	v13 =	vand.u32 $0xFFFF0000, v22;
	v14 =	vshll.u32 v23, $0x10  }
0x4e: {  	v10 =	vadd.f32 v10, v5;
	v5 =	vshll.u32 v22, $0x10;
	_ =	swait.ge [sflag:s21], $0x4000;
	v12 =	vmul.f32 v12, v12  }
0x4f: {  	v18 =	vand.u32 $0xFFFF0000, v23;
	v2 =	vmul.f32 v2, v2;
	v5 =	vsub.f32 v25, v5;
	[sflag:s21] =	ssyncset.done $0x0  }
0x50: {  	s28 =	simm.s32 $0x0;
	v9 =	vadd.f32 v9, v3;
	v3 =	vshll.u32 v24, $0x10;
	[sflag:s21] =	ssyncadd.s32 $0xFFFFC000;
	v19 =	vadd.f32 v12, v0  }
0x51: {  	v0 =	vsub.f32 v26, v13;
	v12 =	vadd.f32 v2, v1;
	v1 =	vmul.f32 v5, v5;
	v13 =	vld [tilespmem:s28+$0x41B0]  }
0x52: {  	v2 =	vand.u32 $0xFFFF0000, v24;
	v5 =	vsub.f32 v27, v14;
	v14 =	vsub.f32 v17, v18;
	v17 =	vld [tilespmem:s28+$0xC1F0]  }
0x53: {  	v18 =	vld [tilespmem:s28+$0x4180];
	v0 =	vmul.f32 v0, v0;
	v4 =	vadd.f32 v1, v4;
	v1 =	vsub.f32 v28, v3  }
0x54: {  	v2 =	vsub.f32 v15, v2;
	v15 =	vld [tilespmem:s28+$0x4190];
	v3 =	vmul.f32 v5, v5;
	v14 =	vmul.f32 v14, v14  }
0x55: {  	v20 =	vld [tilespmem:s28+$0x41A0];
	v5 =	vadd.f32 v0, v8;
	v0 =	vmul.f32 v1, v1;
	v1 =	vsub.f32 v16, v6  }
0x56: {  	v6 =	vadd.f32 v3, v7;
	v7 =	vmul.f32 v2, v2;
	v3 =	vadd.f32 v14, v11;
	v14 =	vld [tilespmem:s28+$0xC180]  }
0x57: {  	v62 =	vld [tilespmem:s28+$0xC1C0];
	v2 =	vadd.f32 v0, v10;
	v0 =	vand.u32 $0xFFFF0000, v13  }
0x58: {  	v8 =	vmul.f32 v1, v1;
	v1 =	vadd.f32 v7, v9;
	v10 =	vld [tilespmem:s28+$0xC190];
	v7 =	vsub.f32 v17, v0  }
0x59: {  	v11 =	vld [tilespmem:s28+$0xC1D0];
	v63 =	vand.u32 $0xFFFF0000, v18;
	v9 =	vshll.u32 v18, $0x10;
	v16 =	vand.u32 $0xFFFF0000, v15  }
0x5a: {  	v17 =	vshll.u32 v15, $0x10;
	v0 =	vadd.f32 v8, v12;
	v12 =	vld [tilespmem:s28+$0xC1A0];
	v7 =	vmul.f32 v7, v7  }
0x5b: {  	v8 =	vshll.u32 v13, $0x10;
	v13 =	vshll.u32 v20, $0x10;
	v18 =	vsub.f32 v14, v9;
	v14 =	vld [tilespmem:s28+$0xC1E0]  }
0x5c: {  	s26 =	simm.s32 $0x400;
	s25 =	simm.s32 $0x80;
	v15 =	vld [tilespmem:s28+$0xC1B0];
	v9 =	vand.u32 $0xFFFF0000, v20;
	v7 =	vadd.f32 v7, v19;
	v19 =	vsub.f32 v62, v63  }
.LBB2_4:
0x5d: {  	p0 =	sne.s32 s26, $0xFE00;
	v20 =	vld [tilespmem:s25+$0x41B0];
	v18 =	vmul.f32 v18, v18;
	v10 =	vsub.f32 v10, v17  }
0x5e: {  	v17 =	vld [tilespmem:s25+$0xC1F0];
	v19 =	vmul.f32 v19, v19;
	v11 =	vsub.f32 v11, v16  }
0x5f: {  	v16 =	vld [tilespmem:s25+$0x4180];
	v4 =	vadd.f32 v18, v4;
	v10 =	vmul.f32 v10, v10;
	v12 =	vsub.f32 v12, v13  }
0x60: {  	v13 =	vld [tilespmem:s25+$0x4190];
	v5 =	vadd.f32 v19, v5;
	v11 =	vmul.f32 v11, v11;
	v9 =	vsub.f32 v14, v9  }
0x61: {  	v14 =	vld [tilespmem:s25+$0x41A0];
	v6 =	vadd.f32 v10, v6;
	v12 =	vmul.f32 v12, v12;
	v10 =	vsub.f32 v15, v8  }
0x62: {  	v15 =	vld [tilespmem:s25+$0xC180];
	v8 =	vshll.u32 v20, $0x10;
	v18 =	vand.u32 $0xFFFF0000, v20;
	v19 =	vmul.f32 v9, v9  }
0x63: {  	v3 =	vadd.f32 v11, v3;
	v20 =	vld [tilespmem:s25+$0xC1C0];
	v9 =	vsub.f32 v17, v18;
	v21 =	vmul.f32 v10, v10  }
.Ltmp1:
0x64: {  	v2 =	vadd.f32 v12, v2;
	v18 =	vshll.u32 v16, $0x10;
	v22 =	vand.u32 $0xFFFF0000, v16;
	v10 =	vld [tilespmem:s25+$0xC190];
	(pc) =	sbr.rel @p0 .LBB2_4-.Ltmp1, $4  }
0x65: {  	v17 =	vshll.u32 v13, $0x10;
	v16 =	vand.u32 $0xFFFF0000, v13;
	v11 =	vld [tilespmem:s25+$0xC1D0];
	v23 =	vmul.f32 v9, v9  }
0x66: {  	v1 =	vadd.f32 v19, v1;
	v13 =	vshll.u32 v14, $0x10;
	v9 =	vand.u32 $0xFFFF0000, v14;
	v12 =	vld [tilespmem:s25+$0xC1A0]  }
0x67: {  	v18 =	vsub.f32 v15, v18;
	v14 =	vld [tilespmem:s25+$0xC1E0];
	v7 =	vadd.f32 v23, v7  }
0x68: {  	v0 =	vadd.f32 v21, v0;
	v19 =	vsub.f32 v20, v22;
	v15 =	vld [tilespmem:s25+$0xC1B0];
	s25 =	sshra.s32 s26, $0x2;
	s26 =	sadd.s32 $0x200, s26  }
0x69: {  	v20 =	vld [tilespmem:s25+$0x41B0]  }
0x6a: {  	v21 =	vld [tilespmem:s25+$0xC1F0]  }
0x6b: {  	v22 =	vld [tilespmem:s25+$0x4180]  }
0x6c: {  	v23 =	vld [tilespmem:s25+$0x4190]  }
0x6d: {  	v24 =	vld [tilespmem:s25+$0x41A0]  }
0x6e: {  	v25 =	vld [tilespmem:s25+$0xC180]  }
0x6f: {  	v26 =	vld [tilespmem:s25+$0xC1C0];
	v10 =	vsub.f32 v10, v17  }
0x70: {  	v17 =	vld [tilespmem:s25+$0xC190];
	v19 =	vmul.f32 v19, v19;
	v11 =	vsub.f32 v11, v16  }
0x71: {  	v18 =	vmul.f32 v18, v18;
	v27 =	vld [tilespmem:s25+$0xC1D0];
	v10 =	vmul.f32 v10, v10;
	v12 =	vsub.f32 v12, v13  }
0x72: {  	v16 =	vld [tilespmem:s25+$0xC1A0];
	v13 =	vadd.f32 v19, v5;
	v5 =	vsub.f32 v14, v9;
	v9 =	vmul.f32 v11, v11  }
0x73: {  	v4 =	vadd.f32 v18, v4;
	v18 =	vld [tilespmem:s25+$0xC1E0];
	v10 =	vadd.f32 v10, v6;
	v6 =	vmul.f32 v12, v12  }
0x74: {  	v11 =	vld [tilespmem:s25+$0xC1B0];
	_ =	swait.ge [sflag:s17], $0x4000;
	v8 =	vsub.f32 v15, v8;
	v12 =	vand.u32 $0xFFFF0000, v20;
	v3 =	vadd.f32 v9, v3  }
0x75: {  	[sflag:s17] =	ssyncset.done $0x0;
	v9 =	vshll.u32 v20, $0x10;
	v5 =	vmul.f32 v5, v5;
	v14 =	vand.u32 $0xFFFF0000, v22  }
0x76: {  	[sflag:s17] =	ssyncadd.s32 $0xFFFFC000;
	v15 =	vshll.u32 v23, $0x10;
	v19 =	vand.u32 $0xFFFF0000, v23;
	v20 =	vshll.u32 v24, $0x10  }
0x77: {  	v12 =	vsub.f32 v21, v12;
	v2 =	vadd.f32 v6, v2;
	v6 =	vshll.u32 v22, $0x10;
	_ =	swait.ge [sflag:s22], $0x4000  }
0x78: {  	v8 =	vmul.f32 v8, v8;
	v6 =	vsub.f32 v25, v6;
	[sflag:s22] =	ssyncset.done $0x0;
	v1 =	vadd.f32 v5, v1  }
0x79: {  	s28 =	simm.s32 $0x0;
	v5 =	vsub.f32 v26, v14;
	v14 =	vsub.f32 v27, v19;
	v12 =	vmul.f32 v12, v12;
	[sflag:s22] =	ssyncadd.s32 $0xFFFFC000  }
0x7a: {  	v0 =	vadd.f32 v8, v0;
	v9 =	vsub.f32 v11, v9;
	v6 =	vmul.f32 v6, v6;
	v8 =	vld [tilespmem:s28+$0x1B0]  }
0x7b: {  	v19 =	vld [tilespmem:s28+$0x190];
	v61 =	vadd.f32 v12, v7;
	v7 =	vand.u32 $0xFFFF0000, v24;
	v12 =	vsub.f32 v17, v15  }
0x7c: {  	v15 =	vld [tilespmem:s28+$0x101F0];
	v17 =	vmul.f32 v5, v5;
	v5 =	vadd.f32 v6, v4;
	v4 =	vsub.f32 v16, v20  }
0x7d: {  	v14 =	vmul.f32 v14, v14;
	v16 =	vld [tilespmem:s28+$0x180];
	v18 =	vsub.f32 v18, v7;
	v12 =	vmul.f32 v12, v12  }
0x7e: {  	v9 =	vmul.f32 v9, v9;
	v20 =	vld [tilespmem:s28+$0x1A0];
	v6 =	vadd.f32 v17, v13;
	v13 =	vmul.f32 v4, v4  }
0x7f: {  	v4 =	vadd.f32 v14, v3;
	v3 =	vld [tilespmem:s28+$0x10180];
	v7 =	vadd.f32 v12, v10;
	v10 =	vmul.f32 v18, v18  }
0x80: {  	v62 =	vld [tilespmem:s28+$0x101C0];
	v0 =	vadd.f32 v9, v0;
	v11 =	vand.u32 $0xFFFF0000, v8  }
0x81: {  	v11 =	vsub.f32 v15, v11;
	v1 =	vadd.f32 v10, v1;
	v10 =	vld [tilespmem:s28+$0x10190]  }
0x82: {  	v8 =	vshll.u32 v8, $0x10;
	v12 =	vld [tilespmem:s28+$0x101D0];
	v17 =	vshll.u32 v19, $0x10;
	v2 =	vadd.f32 v13, v2  }
0x83: {  	v13 =	vld [tilespmem:s28+$0x101A0];
	v9 =	vshll.u32 v16, $0x10;
	v15 =	vand.u32 $0xFFFF0000, v16;
	v63 =	vmul.f32 v11, v11  }
0x84: {  	v16 =	vand.u32 $0xFFFF0000, v19;
	v14 =	vshll.u32 v20, $0x10;
	v11 =	vld [tilespmem:s28+$0x101E0];
	v18 =	vsub.f32 v3, v9  }
0x85: {  	s26 =	simm.s32 $0x400;
	s25 =	simm.s32 $0x80;
	v19 =	vsub.f32 v62, v15;
	v15 =	vld [tilespmem:s28+$0x101B0];
	v9 =	vand.u32 $0xFFFF0000, v20;
	v3 =	vadd.f32 v63, v61  }
.LBB2_6:
0x86: {  	p0 =	sne.s32 s26, $0xFE00;
	v20 =	vld [tilespmem:s25+$0x1B0];
	v18 =	vmul.f32 v18, v18;
	v10 =	vsub.f32 v10, v17  }
0x87: {  	v17 =	vld [tilespmem:s25+$0x101F0];
	v19 =	vmul.f32 v19, v19;
	v12 =	vsub.f32 v12, v16  }
0x88: {  	v16 =	vld [tilespmem:s25+$0x180];
	v5 =	vadd.f32 v18, v5;
	v10 =	vmul.f32 v10, v10;
	v13 =	vsub.f32 v13, v14  }
0x89: {  	v14 =	vld [tilespmem:s25+$0x190];
	v6 =	vadd.f32 v19, v6;
	v12 =	vmul.f32 v12, v12;
	v9 =	vsub.f32 v11, v9  }
0x8a: {  	v11 =	vld [tilespmem:s25+$0x1A0];
	v7 =	vadd.f32 v10, v7;
	v13 =	vmul.f32 v13, v13;
	v10 =	vsub.f32 v15, v8  }
0x8b: {  	v15 =	vld [tilespmem:s25+$0x10180];
	v8 =	vshll.u32 v20, $0x10;
	v18 =	vand.u32 $0xFFFF0000, v20;
	v19 =	vmul.f32 v9, v9  }
0x8c: {  	v4 =	vadd.f32 v12, v4;
	v20 =	vld [tilespmem:s25+$0x101C0];
	v9 =	vsub.f32 v17, v18;
	v21 =	vmul.f32 v10, v10  }
.Ltmp2:
0x8d: {  	v2 =	vadd.f32 v13, v2;
	v18 =	vshll.u32 v16, $0x10;
	v22 =	vand.u32 $0xFFFF0000, v16;
	v10 =	vld [tilespmem:s25+$0x10190];
	(pc) =	sbr.rel @p0 .LBB2_6-.Ltmp2, $4  }
0x8e: {  	v17 =	vshll.u32 v14, $0x10;
	v16 =	vand.u32 $0xFFFF0000, v14;
	v12 =	vld [tilespmem:s25+$0x101D0];
	v23 =	vmul.f32 v9, v9  }
0x8f: {  	v1 =	vadd.f32 v19, v1;
	v14 =	vshll.u32 v11, $0x10;
	v9 =	vand.u32 $0xFFFF0000, v11;
	v13 =	vld [tilespmem:s25+$0x101A0]  }
0x90: {  	v18 =	vsub.f32 v15, v18;
	v11 =	vld [tilespmem:s25+$0x101E0];
	v3 =	vadd.f32 v23, v3  }
0x91: {  	v0 =	vadd.f32 v21, v0;
	v19 =	vsub.f32 v20, v22;
	v15 =	vld [tilespmem:s25+$0x101B0];
	s25 =	sshra.s32 s26, $0x2;
	s26 =	sadd.s32 $0x200, s26  }
0x92: {  	v20 =	vld [tilespmem:s25+$0x1B0]  }
0x93: {  	v21 =	vld [tilespmem:s25+$0x180]  }
0x94: {  	v22 =	vld [tilespmem:s25+$0x190]  }
0x95: {  	v18 =	vmul.f32 v18, v18;
	v10 =	vsub.f32 v10, v17;
	v37 =	vld [tilespmem:s25+$0x10180]  }
0x96: {  	v23 =	vld [tilespmem:s25+$0x101C0];
	v19 =	vmul.f32 v19, v19  }
0x97: {  	v38 =	vld [tilespmem:s25+$0x1A0];
	v12 =	vsub.f32 v12, v16;
	v5 =	vadd.f32 v18, v5;
	v10 =	vmul.f32 v10, v10  }
0x98: {  	v39 =	vld [tilespmem:s25+$0x10190];
	v13 =	vsub.f32 v13, v14;
	v6 =	vadd.f32 v19, v6  }
0x99: {  	v40 =	vld [tilespmem:s25+$0x101D0];
	v12 =	vmul.f32 v12, v12;
	v9 =	vsub.f32 v11, v9;
	v7 =	vadd.f32 v10, v7  }
0x9a: {  	v8 =	vsub.f32 v15, v8;
	v41 =	vshll.u32 v21, $0x10;
	v42 =	vand.u32 $0xFFFF0000, v21  }
0x9b: {  	v43 =	vld [tilespmem:s25+$0x101A0];
	v13 =	vmul.f32 v13, v13;
	v11 =	vsub.f32 v37, v41;
	v15 =	vsub.f32 v23, v42  }
0x9c: {  	v44 =	vshll.u32 v20, $0x10;
	v45 =	vshll.u32 v22, $0x10;
	v46 =	vand.u32 $0xFFFF0000, v22  }
0x9d: {  	v47 =	vld [tilespmem:s25+$0x101E0];
	v14 =	vsub.f32 v39, v45;
	v11 =	vmul.f32 v11, v11;
	v15 =	vmul.f32 v15, v15  }
0x9e: {  	v48 =	vand.u32 $0xFFFF0000, v20;
	v49 =	vshll.u32 v38, $0x10;
	v10 =	vsub.f32 v40, v46  }
0x9f: {  	v50 =	vld [tilespmem:s25+$0x101B0];
	v51 =	vmul.f32 v14, v14;
	v5 =	vadd.f32 v11, v5;
	v6 =	vadd.f32 v15, v6  }
0xa0: {  	v4 =	vadd.f32 v12, v4;
	v52 =	vand.u32 $0xFFFF0000, v38;
	v53 =	vsub.f32 v43, v49  }
0xa1: {  	v54 =	vld [tilespmem:s25+$0x101F0];
	v10 =	vmul.f32 v10, v10;
	v7 =	vadd.f32 v51, v7;
	v5 =	vadd.f32 v6, v5  }
0xa2: {  	v55 =	vmul.f32 v9, v9;
	v2 =	vadd.f32 v13, v2;
	v56 =	vsub.f32 v47, v52  }
0xa3: {  	v57 =	vmul.f32 v53, v53;
	v4 =	vadd.f32 v10, v4;
	v5 =	vadd.f32 v7, v5  }
0xa4: {  	v58 =	vmul.f32 v8, v8;
	v59 =	vsub.f32 v50, v44;
	v1 =	vadd.f32 v55, v1  }
0xa5: {  	v60 =	vmul.f32 v56, v56;
	v2 =	vadd.f32 v57, v2;
	v4 =	vadd.f32 v4, v5  }
0xa6: {  	v61 =	vsub.f32 v54, v48;
	v0 =	vadd.f32 v58, v0  }
0xa7: {  	v1 =	vadd.f32 v60, v1;
	v6 =	vmul.f32 v59, v59;
	v2 =	vadd.f32 v2, v4;
	_ =	sdelay $0x1  }
0xa8: {  	v62 =	vmul.f32 v61, v61;
	v0 =	vadd.f32 v6, v0;
	v1 =	vadd.f32 v1, v2;
	_ =	sdelay $0x1  }
0xa9: {  	v63 =	vadd.f32 v62, v3;
	v0 =	vadd.f32 v0, v1;
	_ =	sdelay $0x1  }
0xaa: {  	v0 =	vadd.f32 v63, v0;
	_ =	sdelay $0x1  }
0xab: {  	s24 =	sadd.s32 $0x1, s24;
	v0 =	vmul.f32 $5.000000000e-01, v0  }
0xac: {  	p0 =	sne.s32 s24, s9  }
.Ltmp3:
0xad: {  	[tilespmem:$0x14180] =	vst v0;
	(pc) =	sbr.rel @p0 .LBB2_1-.Ltmp3, $4  }
0xae: {  	[hbm4b:s8+s2] =	stream.linear.scatter [tilespmem:s23], [sflag:$0x6], $0x80, $0x38;
	[tilespmem:$0x14200] =	vst v63  }
0xaf: {  	_ =	swait.ge [sflag:s13], $0x80  }
0xb0: {  	[sflag:s13] =	ssyncset.done $0x0  }
0xb1: {  	[sflag:s13] =	ssyncadd.s32 $0xFFFFFF80  }
0xb2: {  	_ =	sfence.sel $0x180000  }
0xb3: {  	[bflag:$0x0] =	sbarrier.arrive $0xFFFF  }
0xb4: {  	p0 =	sne.s32 s1, $0x0;
	_ =	strace $0x90000047  }
0xb5: {  	s0 =	sadd.s32 @!p0 $0x100000, s0;
	[bflag:$0x2] =	sbarrier.arrive $0xFFFF  }
0xb6: {  	[sflag:s0] =	ssyncadd.tile.s32 @!p0 $0x1;
	_ =	shalt  }
.Lfunc_end2:
_tile_overlayer_lowered:
.L_overlay_start_2:
0xb7: {  	(tag) =	ssettag $0x2  }
0xb8: {  	s0 =	rddreg [dreg:$0x0];
	s2 =	stileid.u32  }
0xb9: {  	s1 =	rddreg [dreg:$0x1];
	p0 =	sne.s32 s2, $0x0  }
0xba: {  	s3 =	rddreg [dreg:$0x2];
	[bflag:$0x3] =	sbarrier.arrive $0xFFFF;
	s2 =	simm.s32 @!p0 $0x1C06  }
0xbb: {  	[timem:s3], [sflag:s2] =	dma.local @!p0 [hbm:s0], s1  }
0xbc: {  	s0 =	simm.s32 @!p0 $0x6  }
0xbd: {  	_ =	swait.ge @!p0 [sflag:s0], s1  }
0xbe: {  	s1 =	ssub.s32 @!p0 $0x0, s1;
	[sflag:s0] =	ssyncset.done @!p0 $0x0  }
0xbf: {  	[sflag:s0] =	ssyncadd.s32 @!p0 s1  }
0xc0: {  	[bflag:$0x3] =	sbarrier.arrive $0xFFFF  }
0xc1: {  	_ =	shalt  }

</sc_bundles>
